<compile_context>
chip_gen: v7x
topology: tpu7x:2x2x1
jax: 0.10.2.dev20260603
libtpu: 0.0.44.dev20260713+nightly
codegen_flags: <defaults>
</compile_context>

<pallas_src>
import functools

import jax
import jax.numpy as jnp
from jax import lax
from jax.experimental import pallas as pl
from jax.experimental.pallas import tpu as pltpu
from jax.experimental.pallas import tpu_sc as plsc

ALPHA_C = 0.5
NC = 2
NS = 16
CH = 128
NBUF = 2
SETTLE = 600


def _settle(buf):
    def body(i, x):
        return x + buf[pl.ds(0, 16)]
    acc = lax.fori_loop(0, SETTLE, body, jnp.zeros((16,), jnp.int32))
    return acc[0]




def _deg_body(npd, rows_per_w, dst2, ones_hbm, zeros_hbm, zi_hbm, degp,
              dstbuf, onesbuf, zibuf, deg_sh):
    c = lax.axis_index("c")
    s = lax.axis_index("s")
    w = c * NS + s
    npt = npd // NS
    del npt
    pltpu.sync_copy(dst2.at[pl.ds(w * rows_per_w, rows_per_w)], dstbuf)
    pltpu.sync_copy(ones_hbm, onesbuf)
    pltpu.sync_copy(zi_hbm, zibuf)

    @pl.when(s == 0)
    def _():
        pltpu.sync_copy(zeros_hbm, deg_sh)
    plsc.subcore_barrier()

    def body(k, carry):
        pltpu.sync_copy(onesbuf, deg_sh.at[dstbuf.at[k]], add=True)
        return carry

    lax.fori_loop(0, rows_per_w, body, None)
    plsc.subcore_barrier()
    v = _settle(zibuf)

    @pl.when(jnp.logical_and(s == 0, v == 0))
    def _():
        pltpu.sync_copy(deg_sh, degp.at[c])


def _deg_kernel(npd, ep, dst2):
    rows_per_w = ep // (NC * NS * CH)
    npt = npd // NS
    ones_hbm = jnp.ones((CH,), jnp.float32)
    zeros_hbm = jnp.zeros((npd,), jnp.float32)
    zi_hbm = jnp.zeros((16,), jnp.int32)
    mesh = plsc.VectorSubcoreMesh(core_axis_name="c", subcore_axis_name="s")
    k = pl.kernel(
        functools.partial(_deg_body, npd, rows_per_w),
        out_type=jax.ShapeDtypeStruct((NC, npd), jnp.float32),
        mesh=mesh,
        scratch_types=[
            pltpu.VMEM((rows_per_w, CH), jnp.int32),
            pltpu.VMEM((CH,), jnp.float32),
            pltpu.VMEM((16,), jnp.int32),
            pltpu.VMEM_SHARED((npd,), jnp.float32),
        ],
    )
    return k(dst2, ones_hbm, zeros_hbm, zi_hbm)




def _scale_body(degp_ref, f_ref, out_ref):
    deg = (degp_ref[0, :] + degp_ref[1, :])[:, None]
    norm = lax.rsqrt(jnp.maximum(deg, 1.0))
    h = f_ref[...] * norm
    out_ref[0] = h[:, :128]
    out_ref[1] = h[:, 128:]


def _scale_kernel(n, npd, d, bn, features, degp):
    grid = ((n + bn - 1) // bn,)
    out = pl.pallas_call(
        _scale_body,
        grid=grid,
        in_specs=[
            pl.BlockSpec((2, bn), lambda i: (0, i)),
            pl.BlockSpec((bn, d), lambda i: (i, 0)),
        ],
        out_specs=pl.BlockSpec((2, bn, 128), lambda i: (0, i, 0)),
        out_shape=jax.ShapeDtypeStruct((2, npd, 128), jnp.float32),
        compiler_params=pltpu.CompilerParams(
            dimension_semantics=("parallel",)),
    )(degp.reshape(2, npd), features)
    return out.reshape(2 * npd, 128)




def _agg_body(npd, ep, kchunks, hs2, gidx2, dst2, zeros_hbm, zi_hbm, agg_hbm,
              agg, gixbuf, dstchk, rowbuf, zibuf, *sems):
    semg = sems[:NBUF]
    semd = sems[NBUF:2 * NBUF]
    sems_s = sems[2 * NBUF:]
    c = lax.axis_index("c")
    s = lax.axis_index("s")
    npt = npd // NS
    ept = kchunks * CH
    pltpu.sync_copy(gidx2.at[pl.ds(c * ep + s * ept, ept)], gixbuf)
    pltpu.sync_copy(zi_hbm, zibuf)
    pltpu.sync_copy(zeros_hbm, agg.at[pl.ds(s * npt, npt)])

    def issue(b, k, wait_scatter=True):
        if wait_scatter:
            pltpu.make_async_copy(rowbuf.at[b], agg.at[dstchk.at[b]],
                                  sems_s[b]).wait()
        pltpu.async_copy(dst2.at[s * kchunks + k], dstchk.at[b], semd[b])
        pltpu.async_copy(hs2.at[gixbuf.at[pl.ds(k * CH, CH)]], rowbuf.at[b],
                         semg[b])

    def wait_and_scatter(b, k):
        pltpu.make_async_copy(dst2.at[s * kchunks + k], dstchk.at[b],
                              semd[b]).wait()
        pltpu.make_async_copy(hs2.at[gixbuf.at[pl.ds(k * CH, CH)]],
                              rowbuf.at[b], semg[b]).wait()
        pltpu.async_copy(rowbuf.at[b], agg.at[dstchk.at[b]], sems_s[b],
                         add=True)

    for b in range(NBUF):
        issue(b, b, wait_scatter=False)
    plsc.subcore_barrier()

    def body(g, carry):
        for b in range(NBUF):
            k = g * NBUF + b
            wait_and_scatter(b, k)
            issue(b, k + NBUF)
        return carry

    lax.fori_loop(0, kchunks // NBUF - 1, body, None)
    for b in range(NBUF):
        wait_and_scatter(b, kchunks - NBUF + b)
    for b in range(NBUF):
        pltpu.make_async_copy(rowbuf.at[b], agg.at[dstchk.at[b]],
                              sems_s[b]).wait()
    plsc.subcore_barrier()
    v = _settle(zibuf)

    @pl.when(v == 0)
    def _():
        pltpu.sync_copy(agg.at[pl.ds(s * npt, npt)],
                        agg_hbm.at[pl.ds(c * npd + s * npt, npt)])


def _agg_kernel(npd, ep, hs2, gidx2, dst2):
    kchunks = ep // (NS * CH)
    npt = npd // NS
    zeros_hbm = jnp.zeros((npt, 128), jnp.float32)
    zi_hbm = jnp.zeros((16,), jnp.int32)
    mesh = plsc.VectorSubcoreMesh(core_axis_name="c", subcore_axis_name="s")
    k = pl.kernel(
        functools.partial(_agg_body, npd, ep, kchunks),
        out_type=jax.ShapeDtypeStruct((NC * npd, 128), jnp.float32),
        mesh=mesh,
        scratch_types=[
            pltpu.VMEM_SHARED((npd, 128), jnp.float32),
            pltpu.VMEM((kchunks * CH,), jnp.int32),
            pltpu.VMEM((NBUF, CH), jnp.int32),
            pltpu.VMEM((NBUF, CH, 128), jnp.float32),
            pltpu.VMEM((16,), jnp.int32),
        ] + [pltpu.SemaphoreType.DMA] * (3 * NBUF),
    )
    return k(hs2, gidx2, dst2, zeros_hbm, zi_hbm)




def _comb_body(degp_ref, agg_ref, f_ref, ini_ref, w_ref, out_ref):
    deg = (degp_ref[0, :] + degp_ref[1, :])[:, None]
    norm = lax.rsqrt(jnp.maximum(deg, 1.0))
    agg = jnp.concatenate([agg_ref[0], agg_ref[1]], axis=1)
    h = (ALPHA_C * (agg * norm) + ALPHA_C * (ini_ref[...] * (norm * norm))
         + (1.0 - ALPHA_C) * f_ref[...])
    out_ref[...] = lax.dot_general(h, w_ref[...], (((1,), (1,)), ((), ())),
                                   preferred_element_type=jnp.float32)


def _comb_kernel(n, npd, d, bn, degp, agg2, features, initial_features, W):
    grid = ((n + bn - 1) // bn,)
    return pl.pallas_call(
        _comb_body,
        grid=grid,
        in_specs=[
            pl.BlockSpec((2, bn), lambda i: (0, i)),
            pl.BlockSpec((2, bn, 128), lambda i: (0, i, 0)),
            pl.BlockSpec((bn, d), lambda i: (i, 0)),
            pl.BlockSpec((bn, d), lambda i: (i, 0)),
            pl.BlockSpec((d, d), lambda i: (0, 0)),
        ],
        out_specs=pl.BlockSpec((bn, d), lambda i: (i, 0)),
        out_shape=jax.ShapeDtypeStruct((n, d), jnp.float32),
        compiler_params=pltpu.CompilerParams(
            dimension_semantics=("parallel",)),
    )(degp.reshape(2, npd), agg2.reshape(2, npd, 128), features,
      initial_features, W)




def _round_up(x, m):
    return (x + m - 1) // m * m


def kernel(features, initial_features, edge_index, W):
    n, d = features.shape
    e = edge_index.shape[1]
    npd = _round_up(n, NS * 8)
    ep = _round_up(e, NC * NS * CH * 8)
    bn = 2048
    assert d == 256
    assert (ep // (NS * CH)) % NBUF == 0
    src = edge_index[0]
    dst = edge_index[1]
    pad = ep - e
    src_p = jnp.concatenate([src, jnp.full((pad,), npd - 1, jnp.int32)])
    dst_p = jnp.concatenate([dst, jnp.full((pad,), npd - 1, jnp.int32)])
    dst2 = dst_p.reshape(ep // CH, CH)
    gidx2 = jnp.concatenate([src_p, src_p + npd])

    degp = _deg_kernel(npd, ep, dst2)
    hs2 = _scale_kernel(n, npd, d, bn, features, degp)
    agg2 = _agg_kernel(npd, ep, hs2, gidx2, dst2)
    return _comb_kernel(n, npd, d, bn, degp, agg2,
                        features, initial_features, W)

# --- scband reference (transcript-rebuilt; emitter-appended) ---
"""Pipeline reference for scband-vgcnlayer-53901839565431 (READ-ONLY COPY).

The authoritative reference and input builder live on the scoring server;
editing this copy changes nothing except your own understanding.
"""

import jax, jax.numpy as jnp
import numpy as np

N = 10000
E = 160000
D = 256
ALPHA = 0.5


def setup_inputs(seed: int = 0) -> dict:
    key = jax.random.key(seed)
    k1, k2, k3, k4 = jax.random.split(key, 4)
    features = jax.random.normal(k1, (N, D), dtype=jnp.float32)
    initial_features = jax.random.normal(k2, (N, D), dtype=jnp.float32)
    edge_index = jax.random.randint(k3, (2, E), 0, N, dtype=jnp.int32)
    # xavier_uniform init for linear weight [out_dim, in_dim], gain=1 (activation=None)
    lim = float(np.sqrt(6.0 / (D + D)))
    W = jax.random.uniform(k4, (D, D), minval=-lim, maxval=lim, dtype=jnp.float32)
    return {"features": features, "initial_features": initial_features, "edge_index": edge_index, "W": W}


def reference(features, initial_features, edge_index, W):
    n = features.shape[0]
    src = edge_index[0]
    dst = edge_index[1]
    # in-degrees (graph_norm=True), clamped to min 1
    deg = jnp.zeros((n,), dtype=features.dtype).at[dst].add(1.0)
    deg = jnp.clip(deg, 1.0)
    norm = jnp.power(deg, -0.5)[:, None]
    h_pre = features
    ri = initial_features * norm * norm
    h = features * norm
    # copy_u + sum aggregation: scatter-add messages from src into dst
    agg = jnp.zeros_like(h).at[dst].add(h[src])
    h = agg * norm
    h = ALPHA * h + ALPHA * ri + (1.0 - ALPHA) * h_pre
    # linear (bias=False): h @ W.T
    out = h @ W.T
    # activation=None, residual=False
    return out

if __name__ == "__main__":
    import jax
    _d = setup_inputs()
    print(jax.jit(kernel)(*tuple(_d.values())))

</pallas_src>

<mosaic_0001>
#map = affine_map<(d0, d1) -> (0, 0)>
#map1 = affine_map<(d0, d1) -> (0)>
module attributes {stable_mosaic.version = 14 : i64} {
  func.func @_deg_body(%arg0: i32, %arg1: i32, %arg2: memref<1280x128xi32, #tpu.memory_space<hbm>>, %arg3: memref<128xf32, #tpu.memory_space<hbm>>, %arg4: memref<10112xf32, #tpu.memory_space<hbm>>, %arg5: memref<16xi32, #tpu.memory_space<hbm>>, %arg6: memref<2x10112xf32, #tpu.memory_space<hbm>>, %arg7: memref<40x128xi32, #tpu.memory_space<vmem>>, %arg8: memref<128xf32, #tpu.memory_space<vmem>>, %arg9: memref<16xi32, #tpu.memory_space<vmem>>, %arg10: memref<10112xf32, #tpu.memory_space<vmem_shared>>) attributes {dimension_semantics = [#tpu.dimension_semantics<core_parallel>, #tpu.dimension_semantics<subcore_parallel>], iteration_bounds = array<i64: 2, 16>, scalar_prefetch = 0 : i64, scratch_operands = 4 : i64, tpu.core_type = #tpu.core_type<sc_vector_subcore>, window_params = [{transform_indices = #map}, {transform_indices = #map1}, {transform_indices = #map1}, {transform_indices = #map1}, {transform_indices = #map}]} {
    %mul3A = arith.constant 16 : i32
    %mul3A_0 = arith.muli %arg0, %mul3A : i32
    %add3A = arith.addi %mul3A_0, %arg1 : i32
    %mul3A_1 = arith.constant 40 : i32
    %mul3A_2 = arith.muli %add3A, %mul3A_1 : i32
    "tpu.region"() ({
      %run_scoped3A = tpu.sem_alloc : memref<!tpu.dma_semaphore, #tpu.memory_space<semaphore_mem>>
      %dma_start3A = arith.constant 0 : i32
      %dma_start3A_24 = tpu.memref_slice %arg2[%mul3A_2, %dma_start3A] : memref<1280x128xi32, #tpu.memory_space<hbm>> -> memref<40x128xi32, #tpu.memory_space<hbm>>
      %dma_start3A_25 = arith.constant 0 : i32
      %dma_start3A_26 = tpu.memref_slice %arg2[%mul3A_2, %dma_start3A_25] : memref<1280x128xi32, #tpu.memory_space<hbm>> -> memref<40x128xi32, #tpu.memory_space<hbm>>
      tpu.enqueue_dma source(%dma_start3A_26 : memref<40x128xi32, #tpu.memory_space<hbm>>) target(%arg7 : memref<40x128xi32, #tpu.memory_space<vmem>>) target_semaphore(%run_scoped3A : memref<!tpu.dma_semaphore, #tpu.memory_space<semaphore_mem>>)
      %dma_wait3A = arith.constant 0 : i32
      %dma_wait3A_27 = tpu.memref_slice %arg2[%mul3A_2, %dma_wait3A] : memref<1280x128xi32, #tpu.memory_space<hbm>> -> memref<40x128xi32, #tpu.memory_space<hbm>>
      %dma_wait3A_28 = arith.constant 0 : i32
      %dma_wait3A_29 = tpu.memref_slice %arg2[%mul3A_2, %dma_wait3A_28] : memref<1280x128xi32, #tpu.memory_space<hbm>> -> memref<40x128xi32, #tpu.memory_space<hbm>>
      tpu.wait_dma2 semaphore(%run_scoped3A : memref<!tpu.dma_semaphore, #tpu.memory_space<semaphore_mem>>) src(%dma_wait3A_29 : memref<40x128xi32, #tpu.memory_space<hbm>>) dst(%arg7 : memref<40x128xi32, #tpu.memory_space<vmem>>)
      tpu.yield
    }) : () -> ()
    "tpu.region"() ({
      %run_scoped3A = tpu.sem_alloc : memref<!tpu.dma_semaphore, #tpu.memory_space<semaphore_mem>>
      tpu.enqueue_dma source(%arg3 : memref<128xf32, #tpu.memory_space<hbm>>) target(%arg8 : memref<128xf32, #tpu.memory_space<vmem>>) target_semaphore(%run_scoped3A : memref<!tpu.dma_semaphore, #tpu.memory_space<semaphore_mem>>)
      tpu.wait_dma2 semaphore(%run_scoped3A : memref<!tpu.dma_semaphore, #tpu.memory_space<semaphore_mem>>) src(%arg3 : memref<128xf32, #tpu.memory_space<hbm>>) dst(%arg8 : memref<128xf32, #tpu.memory_space<vmem>>)
      tpu.yield
    }) : () -> ()
    "tpu.region"() ({
      %run_scoped3A = tpu.sem_alloc : memref<!tpu.dma_semaphore, #tpu.memory_space<semaphore_mem>>
      tpu.enqueue_dma source(%arg5 : memref<16xi32, #tpu.memory_space<hbm>>) target(%arg9 : memref<16xi32, #tpu.memory_space<vmem>>) target_semaphore(%run_scoped3A : memref<!tpu.dma_semaphore, #tpu.memory_space<semaphore_mem>>)
      tpu.wait_dma2 semaphore(%run_scoped3A : memref<!tpu.dma_semaphore, #tpu.memory_space<semaphore_mem>>) src(%arg5 : memref<16xi32, #tpu.memory_space<hbm>>) dst(%arg9 : memref<16xi32, #tpu.memory_space<vmem>>)
      tpu.yield
    }) : () -> ()
    %eq3A = arith.constant 0 : i32
    %eq3A_3 = arith.cmpi eq, %arg1, %eq3A : i32
    %convert_element_type3A = arith.extui %eq3A_3 : i1 to i32
    %cond3A = arith.constant 0 : i32
    %cond3A_4 = arith.cmpi ne, %convert_element_type3A, %cond3A : i32
    scf.if %cond3A_4 {
      "tpu.region"() ({
        %run_scoped3A = tpu.sem_alloc : memref<!tpu.dma_semaphore, #tpu.memory_space<semaphore_mem>>
        tpu.enqueue_dma source(%arg4 : memref<10112xf32, #tpu.memory_space<hbm>>) target(%arg10 : memref<10112xf32, #tpu.memory_space<vmem_shared>>) target_semaphore(%run_scoped3A : memref<!tpu.dma_semaphore, #tpu.memory_space<semaphore_mem>>)
        tpu.wait_dma2 semaphore(%run_scoped3A : memref<!tpu.dma_semaphore, #tpu.memory_space<semaphore_mem>>) src(%arg4 : memref<10112xf32, #tpu.memory_space<hbm>>) dst(%arg10 : memref<10112xf32, #tpu.memory_space<vmem_shared>>)
        tpu.yield
      }) : () -> ()
    } else {
    }
    %barrier3A = arith.constant 0 : index
    tpu.barrier barrier_id(%barrier3A)
    %scan3A = arith.constant 0 : i32
    %scan3A_5 = arith.constant 40 : i32
    %scan3A_6 = arith.addi %scan3A, %scan3A_5 : i32
    %scan3A_7 = arith.constant 1 : i32
    scf.for %scan3A_24 = %scan3A to %scan3A_6 step %scan3A_7  : i32 {
      "tpu.region"() ({
        %run_scoped3A = tpu.sem_alloc : memref<!tpu.dma_semaphore, #tpu.memory_space<semaphore_mem>>
        %dma_start3A = arith.constant 0 : i32
        %dma_start3A_25 = tpu.memref_slice %arg7[%scan3A_24, %dma_start3A] : memref<40x128xi32, #tpu.memory_space<vmem>> -> memref<1x128xi32, #tpu.memory_space<vmem>>
        %dma_start3A_26 = tpu.memref_squeeze %dma_start3A_25 : memref<1x128xi32, #tpu.memory_space<vmem>> -> memref<128xi32, #tpu.memory_space<vmem>>
        %dma_start3A_27 = arith.constant 0 : i32
        %dma_start3A_28 = tpu.memref_slice %arg10[%dma_start3A_27] : memref<10112xf32, #tpu.memory_space<vmem_shared>> -> memref<10112xf32, #tpu.memory_space<vmem_shared>>
        tpu.enqueue_indirect_dma source(%arg8 : memref<128xf32, #tpu.memory_space<vmem>>) target(%dma_start3A_28 : memref<10112xf32, #tpu.memory_space<vmem_shared>>) offsets(%dma_start3A_26 : memref<128xi32, #tpu.memory_space<vmem>>) semaphore(%run_scoped3A : memref<!tpu.dma_semaphore, #tpu.memory_space<semaphore_mem>>) {add = true}
        %dma_wait3A = arith.constant 0 : i32
        %dma_wait3A_29 = tpu.memref_slice %arg7[%scan3A_24, %dma_wait3A] : memref<40x128xi32, #tpu.memory_space<vmem>> -> memref<1x128xi32, #tpu.memory_space<vmem>>
        %dma_wait3A_30 = tpu.memref_squeeze %dma_wait3A_29 : memref<1x128xi32, #tpu.memory_space<vmem>> -> memref<128xi32, #tpu.memory_space<vmem>>
        %dma_wait3A_31 = arith.constant 0 : i32
        %dma_wait3A_32 = tpu.memref_slice %arg10[%dma_wait3A_31] : memref<10112xf32, #tpu.memory_space<vmem_shared>> -> memref<10112xf32, #tpu.memory_space<vmem_shared>>
        tpu.wait_indirect_dma semaphore(%run_scoped3A : memref<!tpu.dma_semaphore, #tpu.memory_space<semaphore_mem>>) src(%arg8 : memref<128xf32, #tpu.memory_space<vmem>>) dst(%dma_wait3A_32 : memref<10112xf32, #tpu.memory_space<vmem_shared>>)
        tpu.yield
      }) : () -> ()
    }
    %scan3A_8 = arith.constant 40 : i32
    %barrier3A_9 = arith.constant 0 : index
    tpu.barrier barrier_id(%barrier3A_9)
    %broadcast_in_dim3A = arith.constant 0 : i32
    %broadcast_in_dim3A_10 = vector.broadcast %broadcast_in_dim3A : i32 to vector<16xi32>
    %scan3A_11 = arith.constant 0 : i32
    %scan3A_12 = arith.constant 600 : i32
    %scan3A_13 = arith.addi %scan3A_11, %scan3A_12 : i32
    %scan3A_14 = arith.constant 1 : i32
    %scan3A_15 = scf.for %scan3A_24 = %scan3A_11 to %scan3A_13 step %scan3A_14 iter_args(%scan3A_25 = %broadcast_in_dim3A_10) -> (vector<16xi32>)  : i32 {
      %get3A = arith.constant 0 : index
      %get3A_26 = tpu.vector_load %arg9[%get3A] {strides = array<i32>} : memref<16xi32, #tpu.memory_space<vmem>>, vector<16xi32>,
      %get3A_27 = vector.shape_cast %get3A_26 : vector<16xi32> to vector<16xi32>
      %add3A_28 = arith.addi %scan3A_25, %get3A_27 : vector<16xi32>
      scf.yield %add3A_28 : vector<16xi32>
    }
    %scan3A_16 = arith.constant 600 : i32
    %slice3A = vector.extract_strided_slice %scan3A_15 {offsets = [0], sizes = [1], strides = [1]} : vector<16xi32> to vector<1xi32>
    %squeeze3A = vector.extract %slice3A[0] : i32 from vector<1xi32>
    %eq3A_17 = arith.constant 0 : i32
    %eq3A_18 = arith.cmpi eq, %arg1, %eq3A_17 : i32
    %eq3A_19 = arith.constant 0 : i32
    %eq3A_20 = arith.cmpi eq, %squeeze3A, %eq3A_19 : i32
    %and3A = arith.andi %eq3A_18, %eq3A_20 : i1
    %convert_element_type3A_21 = arith.extui %and3A : i1 to i32
    %cond3A_22 = arith.constant 0 : i32
    %cond3A_23 = arith.cmpi ne, %convert_element_type3A_21, %cond3A_22 : i32
    scf.if %cond3A_23 {
      "tpu.region"() ({
        %run_scoped3A = tpu.sem_alloc : memref<!tpu.dma_semaphore, #tpu.memory_space<semaphore_mem>>
        %dma_start3A = arith.constant 0 : i32
        %dma_start3A_24 = tpu.memref_slice %arg6[%arg0, %dma_start3A] : memref<2x10112xf32, #tpu.memory_space<hbm>> -> memref<1x10112xf32, #tpu.memory_space<hbm>>
        %dma_start3A_25 = tpu.memref_squeeze %dma_start3A_24 : memref<1x10112xf32, #tpu.memory_space<hbm>> -> memref<10112xf32, #tpu.memory_space<hbm>>
        tpu.enqueue_dma source(%arg10 : memref<10112xf32, #tpu.memory_space<vmem_shared>>) target(%dma_start3A_25 : memref<10112xf32, #tpu.memory_space<hbm>>) target_semaphore(%run_scoped3A : memref<!tpu.dma_semaphore, #tpu.memory_space<semaphore_mem>>)
        %dma_wait3A = arith.constant 0 : i32
        %dma_wait3A_26 = tpu.memref_slice %arg6[%arg0, %dma_wait3A] : memref<2x10112xf32, #tpu.memory_space<hbm>> -> memref<1x10112xf32, #tpu.memory_space<hbm>>
        %dma_wait3A_27 = tpu.memref_squeeze %dma_wait3A_26 : memref<1x10112xf32, #tpu.memory_space<hbm>> -> memref<10112xf32, #tpu.memory_space<hbm>>
        tpu.wait_dma2 semaphore(%run_scoped3A : memref<!tpu.dma_semaphore, #tpu.memory_space<semaphore_mem>>) src(%arg10 : memref<10112xf32, #tpu.memory_space<vmem_shared>>) dst(%dma_wait3A_27 : memref<10112xf32, #tpu.memory_space<hbm>>)
        tpu.yield
      }) : () -> ()
    } else {
    }
    return
  }
}

#map = affine_map<(d0, d1) -> (0, 0)>
#map1 = affine_map<(d0, d1) -> (0)>
module attributes {stable_mosaic.version = 14 : i64} {
  func.func @_agg_body(%arg0: i32, %arg1: i32, %arg2: memref<20224x128xf32, #tpu.memory_space<hbm>>, %arg3: memref<327680xi32, #tpu.memory_space<hbm>>, %arg4: memref<1280x128xi32, #tpu.memory_space<hbm>>, %arg5: memref<632x128xf32, #tpu.memory_space<hbm>>, %arg6: memref<16xi32, #tpu.memory_space<hbm>>, %arg7: memref<20224x128xf32, #tpu.memory_space<hbm>>, %arg8: memref<10112x128xf32, #tpu.memory_space<vmem_shared>>, %arg9: memref<10240xi32, #tpu.memory_space<vmem>>, %arg10: memref<2x128xi32, #tpu.memory_space<vmem>>, %arg11: memref<2x128x128xf32, #tpu.memory_space<vmem>>, %arg12: memref<16xi32, #tpu.memory_space<vmem>>, %arg13: memref<!tpu.dma_semaphore, #tpu.memory_space<semaphore_mem>>, %arg14: memref<!tpu.dma_semaphore, #tpu.memory_space<semaphore_mem>>, %arg15: memref<!tpu.dma_semaphore, #tpu.memory_space<semaphore_mem>>, %arg16: memref<!tpu.dma_semaphore, #tpu.memory_space<semaphore_mem>>, %arg17: memref<!tpu.dma_semaphore, #tpu.memory_space<semaphore_mem>>, %arg18: memref<!tpu.dma_semaphore, #tpu.memory_space<semaphore_mem>>) attributes {dimension_semantics = [#tpu.dimension_semantics<core_parallel>, #tpu.dimension_semantics<subcore_parallel>], iteration_bounds = array<i64: 2, 16>, scalar_prefetch = 0 : i64, scratch_operands = 11 : i64, tpu.core_type = #tpu.core_type<sc_vector_subcore>, window_params = [{transform_indices = #map}, {transform_indices = #map1}, {transform_indices = #map}, {transform_indices = #map}, {transform_indices = #map1}, {transform_indices = #map}]} {
    %mul3A = arith.constant 163840 : i32
    %mul3A_0 = arith.muli %arg0, %mul3A : i32
    %mul3A_1 = arith.constant 10240 : i32
    %mul3A_2 = arith.muli %arg1, %mul3A_1 : i32
    %add3A = arith.addi %mul3A_0, %mul3A_2 : i32
    "tpu.region"() ({
      %run_scoped3A = tpu.sem_alloc : memref<!tpu.dma_semaphore, #tpu.memory_space<semaphore_mem>>
      %dma_start3A_173 = tpu.memref_slice %arg3[%add3A] : memref<327680xi32, #tpu.memory_space<hbm>> -> memref<10240xi32, #tpu.memory_space<hbm>>
      %dma_start3A_174 = tpu.memref_slice %arg3[%add3A] : memref<327680xi32, #tpu.memory_space<hbm>> -> memref<10240xi32, #tpu.memory_space<hbm>>
      tpu.enqueue_dma source(%dma_start3A_174 : memref<10240xi32, #tpu.memory_space<hbm>>) target(%arg9 : memref<10240xi32, #tpu.memory_space<vmem>>) target_semaphore(%run_scoped3A : memref<!tpu.dma_semaphore, #tpu.memory_space<semaphore_mem>>)
      %dma_wait3A_175 = tpu.memref_slice %arg3[%add3A] : memref<327680xi32, #tpu.memory_space<hbm>> -> memref<10240xi32, #tpu.memory_space<hbm>>
      %dma_wait3A_176 = tpu.memref_slice %arg3[%add3A] : memref<327680xi32, #tpu.memory_space<hbm>> -> memref<10240xi32, #tpu.memory_space<hbm>>
      tpu.wait_dma2 semaphore(%run_scoped3A : memref<!tpu.dma_semaphore, #tpu.memory_space<semaphore_mem>>) src(%dma_wait3A_176 : memref<10240xi32, #tpu.memory_space<hbm>>) dst(%arg9 : memref<10240xi32, #tpu.memory_space<vmem>>)
      tpu.yield
    }) : () -> ()
    "tpu.region"() ({
      %run_scoped3A = tpu.sem_alloc : memref<!tpu.dma_semaphore, #tpu.memory_space<semaphore_mem>>
      tpu.enqueue_dma source(%arg6 : memref<16xi32, #tpu.memory_space<hbm>>) target(%arg12 : memref<16xi32, #tpu.memory_space<vmem>>) target_semaphore(%run_scoped3A : memref<!tpu.dma_semaphore, #tpu.memory_space<semaphore_mem>>)
      tpu.wait_dma2 semaphore(%run_scoped3A : memref<!tpu.dma_semaphore, #tpu.memory_space<semaphore_mem>>) src(%arg6 : memref<16xi32, #tpu.memory_space<hbm>>) dst(%arg12 : memref<16xi32, #tpu.memory_space<vmem>>)
      tpu.yield
    }) : () -> ()
    %mul3A_3 = arith.constant 632 : i32
    %mul3A_4 = arith.muli %arg1, %mul3A_3 : i32
    "tpu.region"() ({
      %run_scoped3A = tpu.sem_alloc : memref<!tpu.dma_semaphore, #tpu.memory_space<semaphore_mem>>
      %dma_start3A_173 = arith.constant 0 : i32
      %dma_start3A_174 = tpu.memref_slice %arg8[%mul3A_4, %dma_start3A_173] : memref<10112x128xf32, #tpu.memory_space<vmem_shared>> -> memref<632x128xf32, #tpu.memory_space<vmem_shared>>
      tpu.enqueue_dma source(%arg5 : memref<632x128xf32, #tpu.memory_space<hbm>>) target(%dma_start3A_174 : memref<632x128xf32, #tpu.memory_space<vmem_shared>>) target_semaphore(%run_scoped3A : memref<!tpu.dma_semaphore, #tpu.memory_space<semaphore_mem>>)
      %dma_wait3A_175 = arith.constant 0 : i32
      %dma_wait3A_176 = tpu.memref_slice %arg8[%mul3A_4, %dma_wait3A_175] : memref<10112x128xf32, #tpu.memory_space<vmem_shared>> -> memref<632x128xf32, #tpu.memory_space<vmem_shared>>
      tpu.wait_dma2 semaphore(%run_scoped3A : memref<!tpu.dma_semaphore, #tpu.memory_space<semaphore_mem>>) src(%arg5 : memref<632x128xf32, #tpu.memory_space<hbm>>) dst(%dma_wait3A_176 : memref<632x128xf32, #tpu.memory_space<vmem_shared>>)
      tpu.yield
    }) : () -> ()
    %mul3A_5 = arith.constant 80 : i32
    %mul3A_6 = arith.muli %arg1, %mul3A_5 : i32
    %add3A_7 = arith.constant 0 : i32
    %add3A_8 = arith.addi %mul3A_6, %add3A_7 : i32
    %dma_start3A = arith.constant 0 : i32
    %dma_start3A_9 = arith.constant 0 : i32
    %dma_start3A_10 = tpu.memref_slice %arg10[%dma_start3A, %dma_start3A_9] : memref<2x128xi32, #tpu.memory_space<vmem>> -> memref<1x128xi32, #tpu.memory_space<vmem>>
    %dma_start3A_11 = tpu.memref_squeeze %dma_start3A_10 : memref<1x128xi32, #tpu.memory_space<vmem>> -> memref<128xi32, #tpu.memory_space<vmem>>
    %dma_start3A_12 = arith.constant 0 : i32
    %dma_start3A_13 = tpu.memref_slice %arg4[%add3A_8, %dma_start3A_12] : memref<1280x128xi32, #tpu.memory_space<hbm>> -> memref<1x128xi32, #tpu.memory_space<hbm>>
    %dma_start3A_14 = tpu.memref_squeeze %dma_start3A_13 : memref<1x128xi32, #tpu.memory_space<hbm>> -> memref<128xi32, #tpu.memory_space<hbm>>
    %dma_start3A_15 = arith.constant 0 : i32
    %dma_start3A_16 = tpu.memref_slice %arg10[%dma_start3A, %dma_start3A_15] : memref<2x128xi32, #tpu.memory_space<vmem>> -> memref<1x128xi32, #tpu.memory_space<vmem>>
    %dma_start3A_17 = tpu.memref_squeeze %dma_start3A_16 : memref<1x128xi32, #tpu.memory_space<vmem>> -> memref<128xi32, #tpu.memory_space<vmem>>
    %dma_start3A_18 = arith.constant 0 : i32
    %dma_start3A_19 = tpu.memref_slice %arg4[%add3A_8, %dma_start3A_18] : memref<1280x128xi32, #tpu.memory_space<hbm>> -> memref<1x128xi32, #tpu.memory_space<hbm>>
    %dma_start3A_20 = tpu.memref_squeeze %dma_start3A_19 : memref<1x128xi32, #tpu.memory_space<hbm>> -> memref<128xi32, #tpu.memory_space<hbm>>
    tpu.enqueue_dma source(%dma_start3A_20 : memref<128xi32, #tpu.memory_space<hbm>>) target(%dma_start3A_17 : memref<128xi32, #tpu.memory_space<vmem>>) target_semaphore(%arg15 : memref<!tpu.dma_semaphore, #tpu.memory_space<semaphore_mem>>)
    %dma_start3A_21 = arith.constant 0 : i32
    %dma_start3A_22 = arith.constant 0 : i32
    %dma_start3A_23 = arith.constant 0 : i32
    %dma_start3A_24 = tpu.memref_slice %arg11[%dma_start3A_21, %dma_start3A_22, %dma_start3A_23] : memref<2x128x128xf32, #tpu.memory_space<vmem>> -> memref<1x128x128xf32, #tpu.memory_space<vmem>>
    %dma_start3A_25 = tpu.memref_squeeze %dma_start3A_24 : memref<1x128x128xf32, #tpu.memory_space<vmem>> -> memref<128x128xf32, #tpu.memory_space<vmem>>
    %dma_start3A_26 = arith.constant 0 : i32
    %dma_start3A_27 = tpu.memref_slice %arg9[%dma_start3A_26] : memref<10240xi32, #tpu.memory_space<vmem>> -> memref<128xi32, #tpu.memory_space<vmem>>
    %dma_start3A_28 = arith.constant 0 : i32
    %dma_start3A_29 = arith.constant 0 : i32
    %dma_start3A_30 = tpu.memref_slice %arg2[%dma_start3A_28, %dma_start3A_29] : memref<20224x128xf32, #tpu.memory_space<hbm>> -> memref<20224x128xf32, #tpu.memory_space<hbm>>
    tpu.enqueue_indirect_dma source(%dma_start3A_30 : memref<20224x128xf32, #tpu.memory_space<hbm>>) target(%dma_start3A_25 : memref<128x128xf32, #tpu.memory_space<vmem>>) offsets(%dma_start3A_27 : memref<128xi32, #tpu.memory_space<vmem>>) semaphore(%arg13 : memref<!tpu.dma_semaphore, #tpu.memory_space<semaphore_mem>>)
    %mul3A_31 = arith.constant 80 : i32
    %mul3A_32 = arith.muli %arg1, %mul3A_31 : i32
    %add3A_33 = arith.constant 1 : i32
    %add3A_34 = arith.addi %mul3A_32, %add3A_33 : i32
    %dma_start3A_35 = arith.constant 1 : i32
    %dma_start3A_36 = arith.constant 0 : i32
    %dma_start3A_37 = tpu.memref_slice %arg10[%dma_start3A_35, %dma_start3A_36] : memref<2x128xi32, #tpu.memory_space<vmem>> -> memref<1x128xi32, #tpu.memory_space<vmem>>
    %dma_start3A_38 = tpu.memref_squeeze %dma_start3A_37 : memref<1x128xi32, #tpu.memory_space<vmem>> -> memref<128xi32, #tpu.memory_space<vmem>>
    %dma_start3A_39 = arith.constant 0 : i32
    %dma_start3A_40 = tpu.memref_slice %arg4[%add3A_34, %dma_start3A_39] : memref<1280x128xi32, #tpu.memory_space<hbm>> -> memref<1x128xi32, #tpu.memory_space<hbm>>
    %dma_start3A_41 = tpu.memref_squeeze %dma_start3A_40 : memref<1x128xi32, #tpu.memory_space<hbm>> -> memref<128xi32, #tpu.memory_space<hbm>>
    %dma_start3A_42 = arith.constant 0 : i32
    %dma_start3A_43 = tpu.memref_slice %arg10[%dma_start3A_35, %dma_start3A_42] : memref<2x128xi32, #tpu.memory_space<vmem>> -> memref<1x128xi32, #tpu.memory_space<vmem>>
    %dma_start3A_44 = tpu.memref_squeeze %dma_start3A_43 : memref<1x128xi32, #tpu.memory_space<vmem>> -> memref<128xi32, #tpu.memory_space<vmem>>
    %dma_start3A_45 = arith.constant 0 : i32
    %dma_start3A_46 = tpu.memref_slice %arg4[%add3A_34, %dma_start3A_45] : memref<1280x128xi32, #tpu.memory_space<hbm>> -> memref<1x128xi32, #tpu.memory_space<hbm>>
    %dma_start3A_47 = tpu.memref_squeeze %dma_start3A_46 : memref<1x128xi32, #tpu.memory_space<hbm>> -> memref<128xi32, #tpu.memory_space<hbm>>
    tpu.enqueue_dma source(%dma_start3A_47 : memref<128xi32, #tpu.memory_space<hbm>>) target(%dma_start3A_44 : memref<128xi32, #tpu.memory_space<vmem>>) target_semaphore(%arg16 : memref<!tpu.dma_semaphore, #tpu.memory_space<semaphore_mem>>)
    %dma_start3A_48 = arith.constant 1 : i32
    %dma_start3A_49 = arith.constant 0 : i32
    %dma_start3A_50 = arith.constant 0 : i32
    %dma_start3A_51 = tpu.memref_slice %arg11[%dma_start3A_48, %dma_start3A_49, %dma_start3A_50] : memref<2x128x128xf32, #tpu.memory_space<vmem>> -> memref<1x128x128xf32, #tpu.memory_space<vmem>>
    %dma_start3A_52 = tpu.memref_squeeze %dma_start3A_51 : memref<1x128x128xf32, #tpu.memory_space<vmem>> -> memref<128x128xf32, #tpu.memory_space<vmem>>
    %dma_start3A_53 = arith.constant 128 : i32
    %dma_start3A_54 = tpu.memref_slice %arg9[%dma_start3A_53] : memref<10240xi32, #tpu.memory_space<vmem>> -> memref<128xi32, #tpu.memory_space<vmem>>
    %dma_start3A_55 = arith.constant 0 : i32
    %dma_start3A_56 = arith.constant 0 : i32
    %dma_start3A_57 = tpu.memref_slice %arg2[%dma_start3A_55, %dma_start3A_56] : memref<20224x128xf32, #tpu.memory_space<hbm>> -> memref<20224x128xf32, #tpu.memory_space<hbm>>
    tpu.enqueue_indirect_dma source(%dma_start3A_57 : memref<20224x128xf32, #tpu.memory_space<hbm>>) target(%dma_start3A_52 : memref<128x128xf32, #tpu.memory_space<vmem>>) offsets(%dma_start3A_54 : memref<128xi32, #tpu.memory_space<vmem>>) semaphore(%arg14 : memref<!tpu.dma_semaphore, #tpu.memory_space<semaphore_mem>>)
    %barrier3A = arith.constant 0 : index
    tpu.barrier barrier_id(%barrier3A)
    %scan3A = arith.constant 0 : i32
    %scan3A_58 = arith.constant 39 : i32
    %scan3A_59 = arith.addi %scan3A, %scan3A_58 : i32
    %scan3A_60 = arith.constant 1 : i32
    scf.for %scan3A_173 = %scan3A to %scan3A_59 step %scan3A_60  : i32 {
      %mul3A_174 = arith.constant 2 : i32
      %mul3A_175 = arith.muli %scan3A_173, %mul3A_174 : i32
      %add3A_176 = arith.constant 0 : i32
      %add3A_177 = arith.addi %mul3A_175, %add3A_176 : i32
      %mul3A_178 = arith.constant 80 : i32
      %mul3A_179 = arith.muli %arg1, %mul3A_178 : i32
      %add3A_180 = arith.addi %mul3A_179, %add3A_177 : i32
      %dma_wait3A_181 = arith.constant 0 : i32
      %dma_wait3A_182 = arith.constant 0 : i32
      %dma_wait3A_183 = tpu.memref_slice %arg10[%dma_wait3A_181, %dma_wait3A_182] : memref<2x128xi32, #tpu.memory_space<vmem>> -> memref<1x128xi32, #tpu.memory_space<vmem>>
      %dma_wait3A_184 = tpu.memref_squeeze %dma_wait3A_183 : memref<1x128xi32, #tpu.memory_space<vmem>> -> memref<128xi32, #tpu.memory_space<vmem>>
      %dma_wait3A_185 = arith.constant 0 : i32
      %dma_wait3A_186 = tpu.memref_slice %arg4[%add3A_180, %dma_wait3A_185] : memref<1280x128xi32, #tpu.memory_space<hbm>> -> memref<1x128xi32, #tpu.memory_space<hbm>>
      %dma_wait3A_187 = tpu.memref_squeeze %dma_wait3A_186 : memref<1x128xi32, #tpu.memory_space<hbm>> -> memref<128xi32, #tpu.memory_space<hbm>>
      %dma_wait3A_188 = arith.constant 0 : i32
      %dma_wait3A_189 = tpu.memref_slice %arg10[%dma_wait3A_181, %dma_wait3A_188] : memref<2x128xi32, #tpu.memory_space<vmem>> -> memref<1x128xi32, #tpu.memory_space<vmem>>
      %dma_wait3A_190 = tpu.memref_squeeze %dma_wait3A_189 : memref<1x128xi32, #tpu.memory_space<vmem>> -> memref<128xi32, #tpu.memory_space<vmem>>
      %dma_wait3A_191 = arith.constant 0 : i32
      %dma_wait3A_192 = tpu.memref_slice %arg4[%add3A_180, %dma_wait3A_191] : memref<1280x128xi32, #tpu.memory_space<hbm>> -> memref<1x128xi32, #tpu.memory_space<hbm>>
      %dma_wait3A_193 = tpu.memref_squeeze %dma_wait3A_192 : memref<1x128xi32, #tpu.memory_space<hbm>> -> memref<128xi32, #tpu.memory_space<hbm>>
      tpu.wait_dma2 semaphore(%arg15 : memref<!tpu.dma_semaphore, #tpu.memory_space<semaphore_mem>>) src(%dma_wait3A_193 : memref<128xi32, #tpu.memory_space<hbm>>) dst(%dma_wait3A_190 : memref<128xi32, #tpu.memory_space<vmem>>)
      %mul3A_194 = arith.constant 128 : i32
      %mul3A_195 = arith.muli %add3A_177, %mul3A_194 : i32
      %dma_wait3A_196 = arith.constant 0 : i32
      %dma_wait3A_197 = arith.constant 0 : i32
      %dma_wait3A_198 = arith.constant 0 : i32
      %dma_wait3A_199 = tpu.memref_slice %arg11[%dma_wait3A_196, %dma_wait3A_197, %dma_wait3A_198] : memref<2x128x128xf32, #tpu.memory_space<vmem>> -> memref<1x128x128xf32, #tpu.memory_space<vmem>>
      %dma_wait3A_200 = tpu.memref_squeeze %dma_wait3A_199 : memref<1x128x128xf32, #tpu.memory_space<vmem>> -> memref<128x128xf32, #tpu.memory_space<vmem>>
      %dma_wait3A_201 = tpu.memref_slice %arg9[%mul3A_195] : memref<10240xi32, #tpu.memory_space<vmem>> -> memref<128xi32, #tpu.memory_space<vmem>>
      %dma_wait3A_202 = arith.constant 0 : i32
      %dma_wait3A_203 = arith.constant 0 : i32
      %dma_wait3A_204 = tpu.memref_slice %arg2[%dma_wait3A_202, %dma_wait3A_203] : memref<20224x128xf32, #tpu.memory_space<hbm>> -> memref<20224x128xf32, #tpu.memory_space<hbm>>
      tpu.wait_indirect_dma semaphore(%arg13 : memref<!tpu.dma_semaphore, #tpu.memory_space<semaphore_mem>>) src(%dma_wait3A_204 : memref<20224x128xf32, #tpu.memory_space<hbm>>) dst(%dma_wait3A_200 : memref<128x128xf32, #tpu.memory_space<vmem>>)
      %dma_start3A_205 = arith.constant 0 : i32
      %dma_start3A_206 = arith.constant 0 : i32
      %dma_start3A_207 = arith.constant 0 : i32
      %dma_start3A_208 = arith.constant 0 : i32
      %dma_start3A_209 = tpu.memref_slice %arg11[%dma_start3A_205, %dma_start3A_207, %dma_start3A_208] : memref<2x128x128xf32, #tpu.memory_space<vmem>> -> memref<1x128x128xf32, #tpu.memory_space<vmem>>
      %dma_start3A_210 = tpu.memref_squeeze %dma_start3A_209 : memref<1x128x128xf32, #tpu.memory_space<vmem>> -> memref<128x128xf32, #tpu.memory_space<vmem>>
      %dma_start3A_211 = arith.constant 0 : i32
      %dma_start3A_212 = tpu.memref_slice %arg10[%dma_start3A_206, %dma_start3A_211] : memref<2x128xi32, #tpu.memory_space<vmem>> -> memref<1x128xi32, #tpu.memory_space<vmem>>
      %dma_start3A_213 = tpu.memref_squeeze %dma_start3A_212 : memref<1x128xi32, #tpu.memory_space<vmem>> -> memref<128xi32, #tpu.memory_space<vmem>>
      %dma_start3A_214 = arith.constant 0 : i32
      %dma_start3A_215 = arith.constant 0 : i32
      %dma_start3A_216 = tpu.memref_slice %arg8[%dma_start3A_214, %dma_start3A_215] : memref<10112x128xf32, #tpu.memory_space<vmem_shared>> -> memref<10112x128xf32, #tpu.memory_space<vmem_shared>>
      tpu.enqueue_indirect_dma source(%dma_start3A_210 : memref<128x128xf32, #tpu.memory_space<vmem>>) target(%dma_start3A_216 : memref<10112x128xf32, #tpu.memory_space<vmem_shared>>) offsets(%dma_start3A_213 : memref<128xi32, #tpu.memory_space<vmem>>) semaphore(%arg17 : memref<!tpu.dma_semaphore, #tpu.memory_space<semaphore_mem>>) {add = true}
      %add3A_217 = arith.constant 2 : i32
      %add3A_218 = arith.addi %add3A_177, %add3A_217 : i32
      %dma_wait3A_219 = arith.constant 0 : i32
      %dma_wait3A_220 = arith.constant 0 : i32
      %dma_wait3A_221 = arith.constant 0 : i32
      %dma_wait3A_222 = arith.constant 0 : i32
      %dma_wait3A_223 = tpu.memref_slice %arg11[%dma_wait3A_219, %dma_wait3A_221, %dma_wait3A_222] : memref<2x128x128xf32, #tpu.memory_space<vmem>> -> memref<1x128x128xf32, #tpu.memory_space<vmem>>
      %dma_wait3A_224 = tpu.memref_squeeze %dma_wait3A_223 : memref<1x128x128xf32, #tpu.memory_space<vmem>> -> memref<128x128xf32, #tpu.memory_space<vmem>>
      %dma_wait3A_225 = arith.constant 0 : i32
      %dma_wait3A_226 = tpu.memref_slice %arg10[%dma_wait3A_220, %dma_wait3A_225] : memref<2x128xi32, #tpu.memory_space<vmem>> -> memref<1x128xi32, #tpu.memory_space<vmem>>
      %dma_wait3A_227 = tpu.memref_squeeze %dma_wait3A_226 : memref<1x128xi32, #tpu.memory_space<vmem>> -> memref<128xi32, #tpu.memory_space<vmem>>
      %dma_wait3A_228 = arith.constant 0 : i32
      %dma_wait3A_229 = arith.constant 0 : i32
      %dma_wait3A_230 = tpu.memref_slice %arg8[%dma_wait3A_228, %dma_wait3A_229] : memref<10112x128xf32, #tpu.memory_space<vmem_shared>> -> memref<10112x128xf32, #tpu.memory_space<vmem_shared>>
      tpu.wait_indirect_dma semaphore(%arg17 : memref<!tpu.dma_semaphore, #tpu.memory_space<semaphore_mem>>) src(%dma_wait3A_224 : memref<128x128xf32, #tpu.memory_space<vmem>>) dst(%dma_wait3A_230 : memref<10112x128xf32, #tpu.memory_space<vmem_shared>>)
      %mul3A_231 = arith.constant 80 : i32
      %mul3A_232 = arith.muli %arg1, %mul3A_231 : i32
      %add3A_233 = arith.addi %mul3A_232, %add3A_218 : i32
      %dma_start3A_234 = arith.constant 0 : i32
      %dma_start3A_235 = arith.constant 0 : i32
      %dma_start3A_236 = tpu.memref_slice %arg10[%dma_start3A_234, %dma_start3A_235] : memref<2x128xi32, #tpu.memory_space<vmem>> -> memref<1x128xi32, #tpu.memory_space<vmem>>
      %dma_start3A_237 = tpu.memref_squeeze %dma_start3A_236 : memref<1x128xi32, #tpu.memory_space<vmem>> -> memref<128xi32, #tpu.memory_space<vmem>>
      %dma_start3A_238 = arith.constant 0 : i32
      %dma_start3A_239 = tpu.memref_slice %arg4[%add3A_233, %dma_start3A_238] : memref<1280x128xi32, #tpu.memory_space<hbm>> -> memref<1x128xi32, #tpu.memory_space<hbm>>
      %dma_start3A_240 = tpu.memref_squeeze %dma_start3A_239 : memref<1x128xi32, #tpu.memory_space<hbm>> -> memref<128xi32, #tpu.memory_space<hbm>>
      %dma_start3A_241 = arith.constant 0 : i32
      %dma_start3A_242 = tpu.memref_slice %arg10[%dma_start3A_234, %dma_start3A_241] : memref<2x128xi32, #tpu.memory_space<vmem>> -> memref<1x128xi32, #tpu.memory_space<vmem>>
      %dma_start3A_243 = tpu.memref_squeeze %dma_start3A_242 : memref<1x128xi32, #tpu.memory_space<vmem>> -> memref<128xi32, #tpu.memory_space<vmem>>
      %dma_start3A_244 = arith.constant 0 : i32
      %dma_start3A_245 = tpu.memref_slice %arg4[%add3A_233, %dma_start3A_244] : memref<1280x128xi32, #tpu.memory_space<hbm>> -> memref<1x128xi32, #tpu.memory_space<hbm>>
      %dma_start3A_246 = tpu.memref_squeeze %dma_start3A_245 : memref<1x128xi32, #tpu.memory_space<hbm>> -> memref<128xi32, #tpu.memory_space<hbm>>
      tpu.enqueue_dma source(%dma_start3A_246 : memref<128xi32, #tpu.memory_space<hbm>>) target(%dma_start3A_243 : memref<128xi32, #tpu.memory_space<vmem>>) target_semaphore(%arg15 : memref<!tpu.dma_semaphore, #tpu.memory_space<semaphore_mem>>)
      %mul3A_247 = arith.constant 128 : i32
      %mul3A_248 = arith.muli %add3A_218, %mul3A_247 : i32
      %dma_start3A_249 = arith.constant 0 : i32
      %dma_start3A_250 = arith.constant 0 : i32
      %dma_start3A_251 = arith.constant 0 : i32
      %dma_start3A_252 = tpu.memref_slice %arg11[%dma_start3A_249, %dma_start3A_250, %dma_start3A_251] : memref<2x128x128xf32, #tpu.memory_space<vmem>> -> memref<1x128x128xf32, #tpu.memory_space<vmem>>
      %dma_start3A_253 = tpu.memref_squeeze %dma_start3A_252 : memref<1x128x128xf32, #tpu.memory_space<vmem>> -> memref<128x128xf32, #tpu.memory_space<vmem>>
      %dma_start3A_254 = tpu.memref_slice %arg9[%mul3A_248] : memref<10240xi32, #tpu.memory_space<vmem>> -> memref<128xi32, #tpu.memory_space<vmem>>
      %dma_start3A_255 = arith.constant 0 : i32
      %dma_start3A_256 = arith.constant 0 : i32
      %dma_start3A_257 = tpu.memref_slice %arg2[%dma_start3A_255, %dma_start3A_256] : memref<20224x128xf32, #tpu.memory_space<hbm>> -> memref<20224x128xf32, #tpu.memory_space<hbm>>
      tpu.enqueue_indirect_dma source(%dma_start3A_257 : memref<20224x128xf32, #tpu.memory_space<hbm>>) target(%dma_start3A_253 : memref<128x128xf32, #tpu.memory_space<vmem>>) offsets(%dma_start3A_254 : memref<128xi32, #tpu.memory_space<vmem>>) semaphore(%arg13 : memref<!tpu.dma_semaphore, #tpu.memory_space<semaphore_mem>>)
      %mul3A_258 = arith.constant 2 : i32
      %mul3A_259 = arith.muli %scan3A_173, %mul3A_258 : i32
      %add3A_260 = arith.constant 1 : i32
      %add3A_261 = arith.addi %mul3A_259, %add3A_260 : i32
      %mul3A_262 = arith.constant 80 : i32
      %mul3A_263 = arith.muli %arg1, %mul3A_262 : i32
      %add3A_264 = arith.addi %mul3A_263, %add3A_261 : i32
      %dma_wait3A_265 = arith.constant 1 : i32
      %dma_wait3A_266 = arith.constant 0 : i32
      %dma_wait3A_267 = tpu.memref_slice %arg10[%dma_wait3A_265, %dma_wait3A_266] : memref<2x128xi32, #tpu.memory_space<vmem>> -> memref<1x128xi32, #tpu.memory_space<vmem>>
      %dma_wait3A_268 = tpu.memref_squeeze %dma_wait3A_267 : memref<1x128xi32, #tpu.memory_space<vmem>> -> memref<128xi32, #tpu.memory_space<vmem>>
      %dma_wait3A_269 = arith.constant 0 : i32
      %dma_wait3A_270 = tpu.memref_slice %arg4[%add3A_264, %dma_wait3A_269] : memref<1280x128xi32, #tpu.memory_space<hbm>> -> memref<1x128xi32, #tpu.memory_space<hbm>>
      %dma_wait3A_271 = tpu.memref_squeeze %dma_wait3A_270 : memref<1x128xi32, #tpu.memory_space<hbm>> -> memref<128xi32, #tpu.memory_space<hbm>>
      %dma_wait3A_272 = arith.constant 0 : i32
      %dma_wait3A_273 = tpu.memref_slice %arg10[%dma_wait3A_265, %dma_wait3A_272] : memref<2x128xi32, #tpu.memory_space<vmem>> -> memref<1x128xi32, #tpu.memory_space<vmem>>
      %dma_wait3A_274 = tpu.memref_squeeze %dma_wait3A_273 : memref<1x128xi32, #tpu.memory_space<vmem>> -> memref<128xi32, #tpu.memory_space<vmem>>
      %dma_wait3A_275 = arith.constant 0 : i32
      %dma_wait3A_276 = tpu.memref_slice %arg4[%add3A_264, %dma_wait3A_275] : memref<1280x128xi32, #tpu.memory_space<hbm>> -> memref<1x128xi32, #tpu.memory_space<hbm>>
      %dma_wait3A_277 = tpu.memref_squeeze %dma_wait3A_276 : memref<1x128xi32, #tpu.memory_space<hbm>> -> memref<128xi32, #tpu.memory_space<hbm>>
      tpu.wait_dma2 semaphore(%arg16 : memref<!tpu.dma_semaphore, #tpu.memory_space<semaphore_mem>>) src(%dma_wait3A_277 : memref<128xi32, #tpu.memory_space<hbm>>) dst(%dma_wait3A_274 : memref<128xi32, #tpu.memory_space<vmem>>)
      %mul3A_278 = arith.constant 128 : i32
      %mul3A_279 = arith.muli %add3A_261, %mul3A_278 : i32
      %dma_wait3A_280 = arith.constant 1 : i32
      %dma_wait3A_281 = arith.constant 0 : i32
      %dma_wait3A_282 = arith.constant 0 : i32
      %dma_wait3A_283 = tpu.memref_slice %arg11[%dma_wait3A_280, %dma_wait3A_281, %dma_wait3A_282] : memref<2x128x128xf32, #tpu.memory_space<vmem>> -> memref<1x128x128xf32, #tpu.memory_space<vmem>>
      %dma_wait3A_284 = tpu.memref_squeeze %dma_wait3A_283 : memref<1x128x128xf32, #tpu.memory_space<vmem>> -> memref<128x128xf32, #tpu.memory_space<vmem>>
      %dma_wait3A_285 = tpu.memref_slice %arg9[%mul3A_279] : memref<10240xi32, #tpu.memory_space<vmem>> -> memref<128xi32, #tpu.memory_space<vmem>>
      %dma_wait3A_286 = arith.constant 0 : i32
      %dma_wait3A_287 = arith.constant 0 : i32
      %dma_wait3A_288 = tpu.memref_slice %arg2[%dma_wait3A_286, %dma_wait3A_287] : memref<20224x128xf32, #tpu.memory_space<hbm>> -> memref<20224x128xf32, #tpu.memory_space<hbm>>
      tpu.wait_indirect_dma semaphore(%arg14 : memref<!tpu.dma_semaphore, #tpu.memory_space<semaphore_mem>>) src(%dma_wait3A_288 : memref<20224x128xf32, #tpu.memory_space<hbm>>) dst(%dma_wait3A_284 : memref<128x128xf32, #tpu.memory_space<vmem>>)
      %dma_start3A_289 = arith.constant 1 : i32
      %dma_start3A_290 = arith.constant 1 : i32
      %dma_start3A_291 = arith.constant 0 : i32
      %dma_start3A_292 = arith.constant 0 : i32
      %dma_start3A_293 = tpu.memref_slice %arg11[%dma_start3A_289, %dma_start3A_291, %dma_start3A_292] : memref<2x128x128xf32, #tpu.memory_space<vmem>> -> memref<1x128x128xf32, #tpu.memory_space<vmem>>
      %dma_start3A_294 = tpu.memref_squeeze %dma_start3A_293 : memref<1x128x128xf32, #tpu.memory_space<vmem>> -> memref<128x128xf32, #tpu.memory_space<vmem>>
      %dma_start3A_295 = arith.constant 0 : i32
      %dma_start3A_296 = tpu.memref_slice %arg10[%dma_start3A_290, %dma_start3A_295] : memref<2x128xi32, #tpu.memory_space<vmem>> -> memref<1x128xi32, #tpu.memory_space<vmem>>
      %dma_start3A_297 = tpu.memref_squeeze %dma_start3A_296 : memref<1x128xi32, #tpu.memory_space<vmem>> -> memref<128xi32, #tpu.memory_space<vmem>>
      %dma_start3A_298 = arith.constant 0 : i32
      %dma_start3A_299 = arith.constant 0 : i32
      %dma_start3A_300 = tpu.memref_slice %arg8[%dma_start3A_298, %dma_start3A_299] : memref<10112x128xf32, #tpu.memory_space<vmem_shared>> -> memref<10112x128xf32, #tpu.memory_space<vmem_shared>>
      tpu.enqueue_indirect_dma source(%dma_start3A_294 : memref<128x128xf32, #tpu.memory_space<vmem>>) target(%dma_start3A_300 : memref<10112x128xf32, #tpu.memory_space<vmem_shared>>) offsets(%dma_start3A_297 : memref<128xi32, #tpu.memory_space<vmem>>) semaphore(%arg18 : memref<!tpu.dma_semaphore, #tpu.memory_space<semaphore_mem>>) {add = true}
      %add3A_301 = arith.constant 2 : i32
      %add3A_302 = arith.addi %add3A_261, %add3A_301 : i32
      %dma_wait3A_303 = arith.constant 1 : i32
      %dma_wait3A_304 = arith.constant 1 : i32
      %dma_wait3A_305 = arith.constant 0 : i32
      %dma_wait3A_306 = arith.constant 0 : i32
      %dma_wait3A_307 = tpu.memref_slice %arg11[%dma_wait3A_303, %dma_wait3A_305, %dma_wait3A_306] : memref<2x128x128xf32, #tpu.memory_space<vmem>> -> memref<1x128x128xf32, #tpu.memory_space<vmem>>
      %dma_wait3A_308 = tpu.memref_squeeze %dma_wait3A_307 : memref<1x128x128xf32, #tpu.memory_space<vmem>> -> memref<128x128xf32, #tpu.memory_space<vmem>>
      %dma_wait3A_309 = arith.constant 0 : i32
      %dma_wait3A_310 = tpu.memref_slice %arg10[%dma_wait3A_304, %dma_wait3A_309] : memref<2x128xi32, #tpu.memory_space<vmem>> -> memref<1x128xi32, #tpu.memory_space<vmem>>
      %dma_wait3A_311 = tpu.memref_squeeze %dma_wait3A_310 : memref<1x128xi32, #tpu.memory_space<vmem>> -> memref<128xi32, #tpu.memory_space<vmem>>
      %dma_wait3A_312 = arith.constant 0 : i32
      %dma_wait3A_313 = arith.constant 0 : i32
      %dma_wait3A_314 = tpu.memref_slice %arg8[%dma_wait3A_312, %dma_wait3A_313] : memref<10112x128xf32, #tpu.memory_space<vmem_shared>> -> memref<10112x128xf32, #tpu.memory_space<vmem_shared>>
      tpu.wait_indirect_dma semaphore(%arg18 : memref<!tpu.dma_semaphore, #tpu.memory_space<semaphore_mem>>) src(%dma_wait3A_308 : memref<128x128xf32, #tpu.memory_space<vmem>>) dst(%dma_wait3A_314 : memref<10112x128xf32, #tpu.memory_space<vmem_shared>>)
      %mul3A_315 = arith.constant 80 : i32
      %mul3A_316 = arith.muli %arg1, %mul3A_315 : i32
      %add3A_317 = arith.addi %mul3A_316, %add3A_302 : i32
      %dma_start3A_318 = arith.constant 1 : i32
      %dma_start3A_319 = arith.constant 0 : i32
      %dma_start3A_320 = tpu.memref_slice %arg10[%dma_start3A_318, %dma_start3A_319] : memref<2x128xi32, #tpu.memory_space<vmem>> -> memref<1x128xi32, #tpu.memory_space<vmem>>
      %dma_start3A_321 = tpu.memref_squeeze %dma_start3A_320 : memref<1x128xi32, #tpu.memory_space<vmem>> -> memref<128xi32, #tpu.memory_space<vmem>>
      %dma_start3A_322 = arith.constant 0 : i32
      %dma_start3A_323 = tpu.memref_slice %arg4[%add3A_317, %dma_start3A_322] : memref<1280x128xi32, #tpu.memory_space<hbm>> -> memref<1x128xi32, #tpu.memory_space<hbm>>
      %dma_start3A_324 = tpu.memref_squeeze %dma_start3A_323 : memref<1x128xi32, #tpu.memory_space<hbm>> -> memref<128xi32, #tpu.memory_space<hbm>>
      %dma_start3A_325 = arith.constant 0 : i32
      %dma_start3A_326 = tpu.memref_slice %arg10[%dma_start3A_318, %dma_start3A_325] : memref<2x128xi32, #tpu.memory_space<vmem>> -> memref<1x128xi32, #tpu.memory_space<vmem>>
      %dma_start3A_327 = tpu.memref_squeeze %dma_start3A_326 : memref<1x128xi32, #tpu.memory_space<vmem>> -> memref<128xi32, #tpu.memory_space<vmem>>
      %dma_start3A_328 = arith.constant 0 : i32
      %dma_start3A_329 = tpu.memref_slice %arg4[%add3A_317, %dma_start3A_328] : memref<1280x128xi32, #tpu.memory_space<hbm>> -> memref<1x128xi32, #tpu.memory_space<hbm>>
      %dma_start3A_330 = tpu.memref_squeeze %dma_start3A_329 : memref<1x128xi32, #tpu.memory_space<hbm>> -> memref<128xi32, #tpu.memory_space<hbm>>
      tpu.enqueue_dma source(%dma_start3A_330 : memref<128xi32, #tpu.memory_space<hbm>>) target(%dma_start3A_327 : memref<128xi32, #tpu.memory_space<vmem>>) target_semaphore(%arg16 : memref<!tpu.dma_semaphore, #tpu.memory_space<semaphore_mem>>)
      %mul3A_331 = arith.constant 128 : i32
      %mul3A_332 = arith.muli %add3A_302, %mul3A_331 : i32
      %dma_start3A_333 = arith.constant 1 : i32
      %dma_start3A_334 = arith.constant 0 : i32
      %dma_start3A_335 = arith.constant 0 : i32
      %dma_start3A_336 = tpu.memref_slice %arg11[%dma_start3A_333, %dma_start3A_334, %dma_start3A_335] : memref<2x128x128xf32, #tpu.memory_space<vmem>> -> memref<1x128x128xf32, #tpu.memory_space<vmem>>
      %dma_start3A_337 = tpu.memref_squeeze %dma_start3A_336 : memref<1x128x128xf32, #tpu.memory_space<vmem>> -> memref<128x128xf32, #tpu.memory_space<vmem>>
      %dma_start3A_338 = tpu.memref_slice %arg9[%mul3A_332] : memref<10240xi32, #tpu.memory_space<vmem>> -> memref<128xi32, #tpu.memory_space<vmem>>
      %dma_start3A_339 = arith.constant 0 : i32
      %dma_start3A_340 = arith.constant 0 : i32
      %dma_start3A_341 = tpu.memref_slice %arg2[%dma_start3A_339, %dma_start3A_340] : memref<20224x128xf32, #tpu.memory_space<hbm>> -> memref<20224x128xf32, #tpu.memory_space<hbm>>
      tpu.enqueue_indirect_dma source(%dma_start3A_341 : memref<20224x128xf32, #tpu.memory_space<hbm>>) target(%dma_start3A_337 : memref<128x128xf32, #tpu.memory_space<vmem>>) offsets(%dma_start3A_338 : memref<128xi32, #tpu.memory_space<vmem>>) semaphore(%arg14 : memref<!tpu.dma_semaphore, #tpu.memory_space<semaphore_mem>>)
    }
    %scan3A_61 = arith.constant 39 : i32
    %mul3A_62 = arith.constant 80 : i32
    %mul3A_63 = arith.muli %arg1, %mul3A_62 : i32
    %add3A_64 = arith.constant 78 : i32
    %add3A_65 = arith.addi %mul3A_63, %add3A_64 : i32
    %dma_wait3A = arith.constant 0 : i32
    %dma_wait3A_66 = arith.constant 0 : i32
    %dma_wait3A_67 = tpu.memref_slice %arg10[%dma_wait3A, %dma_wait3A_66] : memref<2x128xi32, #tpu.memory_space<vmem>> -> memref<1x128xi32, #tpu.memory_space<vmem>>
    %dma_wait3A_68 = tpu.memref_squeeze %dma_wait3A_67 : memref<1x128xi32, #tpu.memory_space<vmem>> -> memref<128xi32, #tpu.memory_space<vmem>>
    %dma_wait3A_69 = arith.constant 0 : i32
    %dma_wait3A_70 = tpu.memref_slice %arg4[%add3A_65, %dma_wait3A_69] : memref<1280x128xi32, #tpu.memory_space<hbm>> -> memref<1x128xi32, #tpu.memory_space<hbm>>
    %dma_wait3A_71 = tpu.memref_squeeze %dma_wait3A_70 : memref<1x128xi32, #tpu.memory_space<hbm>> -> memref<128xi32, #tpu.memory_space<hbm>>
    %dma_wait3A_72 = arith.constant 0 : i32
    %dma_wait3A_73 = tpu.memref_slice %arg10[%dma_wait3A, %dma_wait3A_72] : memref<2x128xi32, #tpu.memory_space<vmem>> -> memref<1x128xi32, #tpu.memory_space<vmem>>
    %dma_wait3A_74 = tpu.memref_squeeze %dma_wait3A_73 : memref<1x128xi32, #tpu.memory_space<vmem>> -> memref<128xi32, #tpu.memory_space<vmem>>
    %dma_wait3A_75 = arith.constant 0 : i32
    %dma_wait3A_76 = tpu.memref_slice %arg4[%add3A_65, %dma_wait3A_75] : memref<1280x128xi32, #tpu.memory_space<hbm>> -> memref<1x128xi32, #tpu.memory_space<hbm>>
    %dma_wait3A_77 = tpu.memref_squeeze %dma_wait3A_76 : memref<1x128xi32, #tpu.memory_space<hbm>> -> memref<128xi32, #tpu.memory_space<hbm>>
    tpu.wait_dma2 semaphore(%arg15 : memref<!tpu.dma_semaphore, #tpu.memory_space<semaphore_mem>>) src(%dma_wait3A_77 : memref<128xi32, #tpu.memory_space<hbm>>) dst(%dma_wait3A_74 : memref<128xi32, #tpu.memory_space<vmem>>)
    %dma_wait3A_78 = arith.constant 0 : i32
    %dma_wait3A_79 = arith.constant 0 : i32
    %dma_wait3A_80 = arith.constant 0 : i32
    %dma_wait3A_81 = tpu.memref_slice %arg11[%dma_wait3A_78, %dma_wait3A_79, %dma_wait3A_80] : memref<2x128x128xf32, #tpu.memory_space<vmem>> -> memref<1x128x128xf32, #tpu.memory_space<vmem>>
    %dma_wait3A_82 = tpu.memref_squeeze %dma_wait3A_81 : memref<1x128x128xf32, #tpu.memory_space<vmem>> -> memref<128x128xf32, #tpu.memory_space<vmem>>
    %dma_wait3A_83 = arith.constant 9984 : i32
    %dma_wait3A_84 = tpu.memref_slice %arg9[%dma_wait3A_83] : memref<10240xi32, #tpu.memory_space<vmem>> -> memref<128xi32, #tpu.memory_space<vmem>>
    %dma_wait3A_85 = arith.constant 0 : i32
    %dma_wait3A_86 = arith.constant 0 : i32
    %dma_wait3A_87 = tpu.memref_slice %arg2[%dma_wait3A_85, %dma_wait3A_86] : memref<20224x128xf32, #tpu.memory_space<hbm>> -> memref<20224x128xf32, #tpu.memory_space<hbm>>
    tpu.wait_indirect_dma semaphore(%arg13 : memref<!tpu.dma_semaphore, #tpu.memory_space<semaphore_mem>>) src(%dma_wait3A_87 : memref<20224x128xf32, #tpu.memory_space<hbm>>) dst(%dma_wait3A_82 : memref<128x128xf32, #tpu.memory_space<vmem>>)
    %dma_start3A_88 = arith.constant 0 : i32
    %dma_start3A_89 = arith.constant 0 : i32
    %dma_start3A_90 = arith.constant 0 : i32
    %dma_start3A_91 = arith.constant 0 : i32
    %dma_start3A_92 = tpu.memref_slice %arg11[%dma_start3A_88, %dma_start3A_90, %dma_start3A_91] : memref<2x128x128xf32, #tpu.memory_space<vmem>> -> memref<1x128x128xf32, #tpu.memory_space<vmem>>
    %dma_start3A_93 = tpu.memref_squeeze %dma_start3A_92 : memref<1x128x128xf32, #tpu.memory_space<vmem>> -> memref<128x128xf32, #tpu.memory_space<vmem>>
    %dma_start3A_94 = arith.constant 0 : i32
    %dma_start3A_95 = tpu.memref_slice %arg10[%dma_start3A_89, %dma_start3A_94] : memref<2x128xi32, #tpu.memory_space<vmem>> -> memref<1x128xi32, #tpu.memory_space<vmem>>
    %dma_start3A_96 = tpu.memref_squeeze %dma_start3A_95 : memref<1x128xi32, #tpu.memory_space<vmem>> -> memref<128xi32, #tpu.memory_space<vmem>>
    %dma_start3A_97 = arith.constant 0 : i32
    %dma_start3A_98 = arith.constant 0 : i32
    %dma_start3A_99 = tpu.memref_slice %arg8[%dma_start3A_97, %dma_start3A_98] : memref<10112x128xf32, #tpu.memory_space<vmem_shared>> -> memref<10112x128xf32, #tpu.memory_space<vmem_shared>>
    tpu.enqueue_indirect_dma source(%dma_start3A_93 : memref<128x128xf32, #tpu.memory_space<vmem>>) target(%dma_start3A_99 : memref<10112x128xf32, #tpu.memory_space<vmem_shared>>) offsets(%dma_start3A_96 : memref<128xi32, #tpu.memory_space<vmem>>) semaphore(%arg17 : memref<!tpu.dma_semaphore, #tpu.memory_space<semaphore_mem>>) {add = true}
    %mul3A_100 = arith.constant 80 : i32
    %mul3A_101 = arith.muli %arg1, %mul3A_100 : i32
    %add3A_102 = arith.constant 79 : i32
    %add3A_103 = arith.addi %mul3A_101, %add3A_102 : i32
    %dma_wait3A_104 = arith.constant 1 : i32
    %dma_wait3A_105 = arith.constant 0 : i32
    %dma_wait3A_106 = tpu.memref_slice %arg10[%dma_wait3A_104, %dma_wait3A_105] : memref<2x128xi32, #tpu.memory_space<vmem>> -> memref<1x128xi32, #tpu.memory_space<vmem>>
    %dma_wait3A_107 = tpu.memref_squeeze %dma_wait3A_106 : memref<1x128xi32, #tpu.memory_space<vmem>> -> memref<128xi32, #tpu.memory_space<vmem>>
    %dma_wait3A_108 = arith.constant 0 : i32
    %dma_wait3A_109 = tpu.memref_slice %arg4[%add3A_103, %dma_wait3A_108] : memref<1280x128xi32, #tpu.memory_space<hbm>> -> memref<1x128xi32, #tpu.memory_space<hbm>>
    %dma_wait3A_110 = tpu.memref_squeeze %dma_wait3A_109 : memref<1x128xi32, #tpu.memory_space<hbm>> -> memref<128xi32, #tpu.memory_space<hbm>>
    %dma_wait3A_111 = arith.constant 0 : i32
    %dma_wait3A_112 = tpu.memref_slice %arg10[%dma_wait3A_104, %dma_wait3A_111] : memref<2x128xi32, #tpu.memory_space<vmem>> -> memref<1x128xi32, #tpu.memory_space<vmem>>
    %dma_wait3A_113 = tpu.memref_squeeze %dma_wait3A_112 : memref<1x128xi32, #tpu.memory_space<vmem>> -> memref<128xi32, #tpu.memory_space<vmem>>
    %dma_wait3A_114 = arith.constant 0 : i32
    %dma_wait3A_115 = tpu.memref_slice %arg4[%add3A_103, %dma_wait3A_114] : memref<1280x128xi32, #tpu.memory_space<hbm>> -> memref<1x128xi32, #tpu.memory_space<hbm>>
    %dma_wait3A_116 = tpu.memref_squeeze %dma_wait3A_115 : memref<1x128xi32, #tpu.memory_space<hbm>> -> memref<128xi32, #tpu.memory_space<hbm>>
    tpu.wait_dma2 semaphore(%arg16 : memref<!tpu.dma_semaphore, #tpu.memory_space<semaphore_mem>>) src(%dma_wait3A_116 : memref<128xi32, #tpu.memory_space<hbm>>) dst(%dma_wait3A_113 : memref<128xi32, #tpu.memory_space<vmem>>)
    %dma_wait3A_117 = arith.constant 1 : i32
    %dma_wait3A_118 = arith.constant 0 : i32
    %dma_wait3A_119 = arith.constant 0 : i32
    %dma_wait3A_120 = tpu.memref_slice %arg11[%dma_wait3A_117, %dma_wait3A_118, %dma_wait3A_119] : memref<2x128x128xf32, #tpu.memory_space<vmem>> -> memref<1x128x128xf32, #tpu.memory_space<vmem>>
    %dma_wait3A_121 = tpu.memref_squeeze %dma_wait3A_120 : memref<1x128x128xf32, #tpu.memory_space<vmem>> -> memref<128x128xf32, #tpu.memory_space<vmem>>
    %dma_wait3A_122 = arith.constant 10112 : i32
    %dma_wait3A_123 = tpu.memref_slice %arg9[%dma_wait3A_122] : memref<10240xi32, #tpu.memory_space<vmem>> -> memref<128xi32, #tpu.memory_space<vmem>>
    %dma_wait3A_124 = arith.constant 0 : i32
    %dma_wait3A_125 = arith.constant 0 : i32
    %dma_wait3A_126 = tpu.memref_slice %arg2[%dma_wait3A_124, %dma_wait3A_125] : memref<20224x128xf32, #tpu.memory_space<hbm>> -> memref<20224x128xf32, #tpu.memory_space<hbm>>
    tpu.wait_indirect_dma semaphore(%arg14 : memref<!tpu.dma_semaphore, #tpu.memory_space<semaphore_mem>>) src(%dma_wait3A_126 : memref<20224x128xf32, #tpu.memory_space<hbm>>) dst(%dma_wait3A_121 : memref<128x128xf32, #tpu.memory_space<vmem>>)
    %dma_start3A_127 = arith.constant 1 : i32
    %dma_start3A_128 = arith.constant 1 : i32
    %dma_start3A_129 = arith.constant 0 : i32
    %dma_start3A_130 = arith.constant 0 : i32
    %dma_start3A_131 = tpu.memref_slice %arg11[%dma_start3A_127, %dma_start3A_129, %dma_start3A_130] : memref<2x128x128xf32, #tpu.memory_space<vmem>> -> memref<1x128x128xf32, #tpu.memory_space<vmem>>
    %dma_start3A_132 = tpu.memref_squeeze %dma_start3A_131 : memref<1x128x128xf32, #tpu.memory_space<vmem>> -> memref<128x128xf32, #tpu.memory_space<vmem>>
    %dma_start3A_133 = arith.constant 0 : i32
    %dma_start3A_134 = tpu.memref_slice %arg10[%dma_start3A_128, %dma_start3A_133] : memref<2x128xi32, #tpu.memory_space<vmem>> -> memref<1x128xi32, #tpu.memory_space<vmem>>
    %dma_start3A_135 = tpu.memref_squeeze %dma_start3A_134 : memref<1x128xi32, #tpu.memory_space<vmem>> -> memref<128xi32, #tpu.memory_space<vmem>>
    %dma_start3A_136 = arith.constant 0 : i32
    %dma_start3A_137 = arith.constant 0 : i32
    %dma_start3A_138 = tpu.memref_slice %arg8[%dma_start3A_136, %dma_start3A_137] : memref<10112x128xf32, #tpu.memory_space<vmem_shared>> -> memref<10112x128xf32, #tpu.memory_space<vmem_shared>>
    tpu.enqueue_indirect_dma source(%dma_start3A_132 : memref<128x128xf32, #tpu.memory_space<vmem>>) target(%dma_start3A_138 : memref<10112x128xf32, #tpu.memory_space<vmem_shared>>) offsets(%dma_start3A_135 : memref<128xi32, #tpu.memory_space<vmem>>) semaphore(%arg18 : memref<!tpu.dma_semaphore, #tpu.memory_space<semaphore_mem>>) {add = true}
    %dma_wait3A_139 = arith.constant 0 : i32
    %dma_wait3A_140 = arith.constant 0 : i32
    %dma_wait3A_141 = arith.constant 0 : i32
    %dma_wait3A_142 = arith.constant 0 : i32
    %dma_wait3A_143 = tpu.memref_slice %arg11[%dma_wait3A_139, %dma_wait3A_141, %dma_wait3A_142] : memref<2x128x128xf32, #tpu.memory_space<vmem>> -> memref<1x128x128xf32, #tpu.memory_space<vmem>>
    %dma_wait3A_144 = tpu.memref_squeeze %dma_wait3A_143 : memref<1x128x128xf32, #tpu.memory_space<vmem>> -> memref<128x128xf32, #tpu.memory_space<vmem>>
    %dma_wait3A_145 = arith.constant 0 : i32
    %dma_wait3A_146 = tpu.memref_slice %arg10[%dma_wait3A_140, %dma_wait3A_145] : memref<2x128xi32, #tpu.memory_space<vmem>> -> memref<1x128xi32, #tpu.memory_space<vmem>>
    %dma_wait3A_147 = tpu.memref_squeeze %dma_wait3A_146 : memref<1x128xi32, #tpu.memory_space<vmem>> -> memref<128xi32, #tpu.memory_space<vmem>>
    %dma_wait3A_148 = arith.constant 0 : i32
    %dma_wait3A_149 = arith.constant 0 : i32
    %dma_wait3A_150 = tpu.memref_slice %arg8[%dma_wait3A_148, %dma_wait3A_149] : memref<10112x128xf32, #tpu.memory_space<vmem_shared>> -> memref<10112x128xf32, #tpu.memory_space<vmem_shared>>
    tpu.wait_indirect_dma semaphore(%arg17 : memref<!tpu.dma_semaphore, #tpu.memory_space<semaphore_mem>>) src(%dma_wait3A_144 : memref<128x128xf32, #tpu.memory_space<vmem>>) dst(%dma_wait3A_150 : memref<10112x128xf32, #tpu.memory_space<vmem_shared>>)
    %dma_wait3A_151 = arith.constant 1 : i32
    %dma_wait3A_152 = arith.constant 1 : i32
    %dma_wait3A_153 = arith.constant 0 : i32
    %dma_wait3A_154 = arith.constant 0 : i32
    %dma_wait3A_155 = tpu.memref_slice %arg11[%dma_wait3A_151, %dma_wait3A_153, %dma_wait3A_154] : memref<2x128x128xf32, #tpu.memory_space<vmem>> -> memref<1x128x128xf32, #tpu.memory_space<vmem>>
    %dma_wait3A_156 = tpu.memref_squeeze %dma_wait3A_155 : memref<1x128x128xf32, #tpu.memory_space<vmem>> -> memref<128x128xf32, #tpu.memory_space<vmem>>
    %dma_wait3A_157 = arith.constant 0 : i32
    %dma_wait3A_158 = tpu.memref_slice %arg10[%dma_wait3A_152, %dma_wait3A_157] : memref<2x128xi32, #tpu.memory_space<vmem>> -> memref<1x128xi32, #tpu.memory_space<vmem>>
    %dma_wait3A_159 = tpu.memref_squeeze %dma_wait3A_158 : memref<1x128xi32, #tpu.memory_space<vmem>> -> memref<128xi32, #tpu.memory_space<vmem>>
    %dma_wait3A_160 = arith.constant 0 : i32
    %dma_wait3A_161 = arith.constant 0 : i32
    %dma_wait3A_162 = tpu.memref_slice %arg8[%dma_wait3A_160, %dma_wait3A_161] : memref<10112x128xf32, #tpu.memory_space<vmem_shared>> -> memref<10112x128xf32, #tpu.memory_space<vmem_shared>>
    tpu.wait_indirect_dma semaphore(%arg18 : memref<!tpu.dma_semaphore, #tpu.memory_space<semaphore_mem>>) src(%dma_wait3A_156 : memref<128x128xf32, #tpu.memory_space<vmem>>) dst(%dma_wait3A_162 : memref<10112x128xf32, #tpu.memory_space<vmem_shared>>)
    %barrier3A_163 = arith.constant 0 : index
    tpu.barrier barrier_id(%barrier3A_163)
    %broadcast_in_dim3A = arith.constant 0 : i32
    %broadcast_in_dim3A_164 = vector.broadcast %broadcast_in_dim3A : i32 to vector<16xi32>
    %scan3A_165 = arith.constant 0 : i32
    %scan3A_166 = arith.constant 600 : i32
    %scan3A_167 = arith.addi %scan3A_165, %scan3A_166 : i32
    %scan3A_168 = arith.constant 1 : i32
    %scan3A_169 = scf.for %scan3A_173 = %scan3A_165 to %scan3A_167 step %scan3A_168 iter_args(%scan3A_174 = %broadcast_in_dim3A_164) -> (vector<16xi32>)  : i32 {
      %get3A = arith.constant 0 : index
      %get3A_175 = tpu.vector_load %arg12[%get3A] {strides = array<i32>} : memref<16xi32, #tpu.memory_space<vmem>>, vector<16xi32>,
      %get3A_176 = vector.shape_cast %get3A_175 : vector<16xi32> to vector<16xi32>
      %add3A_177 = arith.addi %scan3A_174, %get3A_176 : vector<16xi32>
      scf.yield %add3A_177 : vector<16xi32>
    }
    %scan3A_170 = arith.constant 600 : i32
    %slice3A = vector.extract_strided_slice %scan3A_169 {offsets = [0], sizes = [1], strides = [1]} : vector<16xi32> to vector<1xi32>
    %squeeze3A = vector.extract %slice3A[0] : i32 from vector<1xi32>
    %eq3A = arith.constant 0 : i32
    %eq3A_171 = arith.cmpi eq, %squeeze3A, %eq3A : i32
    %convert_element_type3A = arith.extui %eq3A_171 : i1 to i32
    %cond3A = arith.constant 0 : i32
    %cond3A_172 = arith.cmpi ne, %convert_element_type3A, %cond3A : i32
    scf.if %cond3A_172 {
      %mul3A_173 = arith.constant 632 : i32
      %mul3A_174 = arith.muli %arg1, %mul3A_173 : i32
      %mul3A_175 = arith.constant 10112 : i32
      %mul3A_176 = arith.muli %arg0, %mul3A_175 : i32
      %mul3A_177 = arith.constant 632 : i32
      %mul3A_178 = arith.muli %arg1, %mul3A_177 : i32
      %add3A_179 = arith.addi %mul3A_176, %mul3A_178 : i32
      "tpu.region"() ({
        %run_scoped3A = tpu.sem_alloc : memref<!tpu.dma_semaphore, #tpu.memory_space<semaphore_mem>>
        %dma_start3A_180 = arith.constant 0 : i32
        %dma_start3A_181 = tpu.memref_slice %arg7[%add3A_179, %dma_start3A_180] : memref<20224x128xf32, #tpu.memory_space<hbm>> -> memref<632x128xf32, #tpu.memory_space<hbm>>
        %dma_start3A_182 = arith.constant 0 : i32
        %dma_start3A_183 = tpu.memref_slice %arg8[%mul3A_174, %dma_start3A_182] : memref<10112x128xf32, #tpu.memory_space<vmem_shared>> -> memref<632x128xf32, #tpu.memory_space<vmem_shared>>
        tpu.enqueue_dma source(%dma_start3A_183 : memref<632x128xf32, #tpu.memory_space<vmem_shared>>) target(%dma_start3A_181 : memref<632x128xf32, #tpu.memory_space<hbm>>) target_semaphore(%run_scoped3A : memref<!tpu.dma_semaphore, #tpu.memory_space<semaphore_mem>>)
        %dma_wait3A_184 = arith.constant 0 : i32
        %dma_wait3A_185 = tpu.memref_slice %arg7[%add3A_179, %dma_wait3A_184] : memref<20224x128xf32, #tpu.memory_space<hbm>> -> memref<632x128xf32, #tpu.memory_space<hbm>>
        %dma_wait3A_186 = arith.constant 0 : i32
        %dma_wait3A_187 = tpu.memref_slice %arg8[%mul3A_174, %dma_wait3A_186] : memref<10112x128xf32, #tpu.memory_space<vmem_shared>> -> memref<632x128xf32, #tpu.memory_space<vmem_shared>>
        tpu.wait_dma2 semaphore(%run_scoped3A : memref<!tpu.dma_semaphore, #tpu.memory_space<semaphore_mem>>) src(%dma_wait3A_187 : memref<632x128xf32, #tpu.memory_space<vmem_shared>>) dst(%dma_wait3A_185 : memref<632x128xf32, #tpu.memory_space<hbm>>)
        tpu.yield
      }) : () -> ()
    } else {
    }
    return
  }
}

module attributes {stable_mosaic.version = 14 : i64} {
  func.func @_scale_body(%arg0: i32, %arg1: memref<2x2048xf32, #tpu.memory_space<vmem>>, %arg2: memref<2048x256xf32, #tpu.memory_space<vmem>>, %arg3: memref<2x2048x128xf32, #tpu.memory_space<vmem>>) attributes {dimension_semantics = [#tpu.dimension_semantics<parallel>], iteration_bounds = array<i64: 5>, scalar_prefetch = 0 : i64, scratch_operands = 0 : i64, tpu.core_type = #tpu.core_type<tc>, window_params = [{transform_indices = @transform_0, window_bounds = array<i64: 2, 2048>}, {transform_indices = @transform_1, window_bounds = array<i64: 2048, 256>}, {transform_indices = @transform_2, window_bounds = array<i64: 2, 2048, 128>}]} {
    %get3A = arith.constant 0 : index
    %get3A_0 = arith.constant 0 : index
    %get3A_1 = vector.load %arg1[%get3A, %get3A_0] : memref<2x2048xf32, #tpu.memory_space<vmem>>, vector<1x2048xf32>
    %get3A_2 = vector.shape_cast %get3A_1 : vector<1x2048xf32> to vector<2048xf32>
    %get3A_3 = arith.constant 1 : index
    %get3A_4 = arith.constant 0 : index
    %get3A_5 = vector.load %arg1[%get3A_3, %get3A_4] : memref<2x2048xf32, #tpu.memory_space<vmem>>, vector<1x2048xf32>
    %get3A_6 = vector.shape_cast %get3A_5 : vector<1x2048xf32> to vector<2048xf32>
    %add3A = arith.addf %get3A_2, %get3A_6 : vector<2048xf32>
    %broadcast_in_dim3A = vector.shape_cast %add3A : vector<2048xf32> to vector<2048x1xf32>
    %max3A = arith.constant 1.000000e+00 : f32
    %max3A_7 = vector.broadcast %max3A : f32 to vector<2048x1xf32>
    %max3A_8 = arith.maximumf %broadcast_in_dim3A, %max3A_7 : vector<2048x1xf32>
    %rsqrt3A = math.rsqrt %max3A_8 : vector<2048x1xf32>
    %get3A_9 = arith.constant 0 : index
    %get3A_10 = arith.constant 0 : index
    %get3A_11 = vector.load %arg2[%get3A_9, %get3A_10] : memref<2048x256xf32, #tpu.memory_space<vmem>>, vector<2048x256xf32>
    %mul3A = vector.broadcast %rsqrt3A : vector<2048x1xf32> to vector<2048x256xf32>
    %mul3A_12 = arith.mulf %get3A_11, %mul3A : vector<2048x256xf32>
    %slice3A = vector.extract_strided_slice %mul3A_12 {offsets = [0, 0], sizes = [2048, 128], strides = [1, 1]} : vector<2048x256xf32> to vector<2048x128xf32>
    %swap3A = arith.constant 0 : index
    %swap3A_13 = arith.constant 0 : index
    %swap3A_14 = arith.constant 0 : index
    %swap3A_15 = vector.load %arg3[%swap3A, %swap3A_13, %swap3A_14] : memref<2x2048x128xf32, #tpu.memory_space<vmem>>, vector<1x2048x128xf32>
    %swap3A_16 = vector.shape_cast %swap3A_15 : vector<1x2048x128xf32> to vector<2048x128xf32>
    %swap3A_17 = vector.shape_cast %slice3A : vector<2048x128xf32> to vector<1x2048x128xf32>
    tpu.vector_store %arg3[%swap3A, %swap3A_13, %swap3A_14], %swap3A_17 {strides = array<i32>} : memref<2x2048x128xf32, #tpu.memory_space<vmem>>, vector<1x2048x128xf32>,
    %slice3A_18 = vector.extract_strided_slice %mul3A_12 {offsets = [0, 128], sizes = [2048, 128], strides = [1, 1]} : vector<2048x256xf32> to vector<2048x128xf32>
    %swap3A_19 = arith.constant 1 : index
    %swap3A_20 = arith.constant 0 : index
    %swap3A_21 = arith.constant 0 : index
    %swap3A_22 = vector.load %arg3[%swap3A_19, %swap3A_20, %swap3A_21] : memref<2x2048x128xf32, #tpu.memory_space<vmem>>, vector<1x2048x128xf32>
    %swap3A_23 = vector.shape_cast %swap3A_22 : vector<1x2048x128xf32> to vector<2048x128xf32>
    %swap3A_24 = vector.shape_cast %slice3A_18 : vector<2048x128xf32> to vector<1x2048x128xf32>
    tpu.vector_store %arg3[%swap3A_19, %swap3A_20, %swap3A_21], %swap3A_24 {strides = array<i32>} : memref<2x2048x128xf32, #tpu.memory_space<vmem>>, vector<1x2048x128xf32>,
    return
  }
  func.func @transform_0(%arg0: i32) -> (i32, i32) {
    %c0_i32 = arith.constant 0 : i32
    %c0_i32_0 = arith.constant 0 : i32
    return %c0_i32, %arg0 : i32, i32
  }
  func.func @transform_1(%arg0: i32) -> (i32, i32) {
    %c0_i32 = arith.constant 0 : i32
    %c0_i32_0 = arith.constant 0 : i32
    return %arg0, %c0_i32 : i32, i32
  }
  func.func @transform_2(%arg0: i32) -> (i32, i32, i32) {
    %c0_i32 = arith.constant 0 : i32
    %c0_i32_0 = arith.constant 0 : i32
    %c0_i32_1 = arith.constant 0 : i32
    return %c0_i32, %arg0, %c0_i32_0 : i32, i32, i32
  }
}

module attributes {stable_mosaic.version = 14 : i64} {
  func.func @_comb_body(%arg0: i32, %arg1: memref<2x2048xf32, #tpu.memory_space<vmem>>, %arg2: memref<2x2048x128xf32, #tpu.memory_space<vmem>>, %arg3: memref<2048x256xf32, #tpu.memory_space<vmem>>, %arg4: memref<2048x256xf32, #tpu.memory_space<vmem>>, %arg5: memref<256x256xf32, #tpu.memory_space<vmem>>, %arg6: memref<2048x256xf32, #tpu.memory_space<vmem>>) attributes {dimension_semantics = [#tpu.dimension_semantics<parallel>], iteration_bounds = array<i64: 5>, scalar_prefetch = 0 : i64, scratch_operands = 0 : i64, tpu.core_type = #tpu.core_type<tc>, window_params = [{transform_indices = @transform_0, window_bounds = array<i64: 2, 2048>}, {transform_indices = @transform_1, window_bounds = array<i64: 2, 2048, 128>}, {transform_indices = @transform_2, window_bounds = array<i64: 2048, 256>}, {transform_indices = @transform_3, window_bounds = array<i64: 2048, 256>}, {pipeline_mode = #tpu.pipeline_mode<synchronous>, transform_indices = @transform_4, window_bounds = array<i64: 256, 256>}, {transform_indices = @transform_5, window_bounds = array<i64: 2048, 256>}]} {
    %get3A = arith.constant 0 : index
    %get3A_0 = arith.constant 0 : index
    %get3A_1 = vector.load %arg1[%get3A, %get3A_0] : memref<2x2048xf32, #tpu.memory_space<vmem>>, vector<1x2048xf32>
    %get3A_2 = vector.shape_cast %get3A_1 : vector<1x2048xf32> to vector<2048xf32>
    %get3A_3 = arith.constant 1 : index
    %get3A_4 = arith.constant 0 : index
    %get3A_5 = vector.load %arg1[%get3A_3, %get3A_4] : memref<2x2048xf32, #tpu.memory_space<vmem>>, vector<1x2048xf32>
    %get3A_6 = vector.shape_cast %get3A_5 : vector<1x2048xf32> to vector<2048xf32>
    %add3A = arith.addf %get3A_2, %get3A_6 : vector<2048xf32>
    %broadcast_in_dim3A = vector.shape_cast %add3A : vector<2048xf32> to vector<2048x1xf32>
    %max3A = arith.constant 1.000000e+00 : f32
    %max3A_7 = vector.broadcast %max3A : f32 to vector<2048x1xf32>
    %max3A_8 = arith.maximumf %broadcast_in_dim3A, %max3A_7 : vector<2048x1xf32>
    %rsqrt3A = math.rsqrt %max3A_8 : vector<2048x1xf32>
    %get3A_9 = arith.constant 0 : index
    %get3A_10 = arith.constant 0 : index
    %get3A_11 = arith.constant 0 : index
    %get3A_12 = vector.load %arg2[%get3A_9, %get3A_10, %get3A_11] : memref<2x2048x128xf32, #tpu.memory_space<vmem>>, vector<1x2048x128xf32>
    %get3A_13 = vector.shape_cast %get3A_12 : vector<1x2048x128xf32> to vector<2048x128xf32>
    %get3A_14 = arith.constant 1 : index
    %get3A_15 = arith.constant 0 : index
    %get3A_16 = arith.constant 0 : index
    %get3A_17 = vector.load %arg2[%get3A_14, %get3A_15, %get3A_16] : memref<2x2048x128xf32, #tpu.memory_space<vmem>>, vector<1x2048x128xf32>
    %get3A_18 = vector.shape_cast %get3A_17 : vector<1x2048x128xf32> to vector<2048x128xf32>
    %concatenate3A = tpu.concatenate %get3A_13, %get3A_18 in 1 : vector<2048x128xf32>, vector<2048x128xf32> -> vector<2048x256xf32>
    %mul3A = vector.broadcast %rsqrt3A : vector<2048x1xf32> to vector<2048x256xf32>
    %mul3A_19 = arith.mulf %concatenate3A, %mul3A : vector<2048x256xf32>
    %mul3A_20 = arith.constant 5.000000e-01 : f32
    %mul3A_21 = vector.broadcast %mul3A_20 : f32 to vector<2048x256xf32>
    %mul3A_22 = arith.mulf %mul3A_21, %mul3A_19 : vector<2048x256xf32>
    %get3A_23 = arith.constant 0 : index
    %get3A_24 = arith.constant 0 : index
    %get3A_25 = vector.load %arg4[%get3A_23, %get3A_24] : memref<2048x256xf32, #tpu.memory_space<vmem>>, vector<2048x256xf32>
    %mul3A_26 = arith.mulf %rsqrt3A, %rsqrt3A : vector<2048x1xf32>
    %mul3A_27 = vector.broadcast %mul3A_26 : vector<2048x1xf32> to vector<2048x256xf32>
    %mul3A_28 = arith.mulf %get3A_25, %mul3A_27 : vector<2048x256xf32>
    %mul3A_29 = arith.constant 5.000000e-01 : f32
    %mul3A_30 = vector.broadcast %mul3A_29 : f32 to vector<2048x256xf32>
    %mul3A_31 = arith.mulf %mul3A_30, %mul3A_28 : vector<2048x256xf32>
    %add3A_32 = arith.addf %mul3A_22, %mul3A_31 : vector<2048x256xf32>
    %get3A_33 = arith.constant 0 : index
    %get3A_34 = arith.constant 0 : index
    %get3A_35 = vector.load %arg3[%get3A_33, %get3A_34] : memref<2048x256xf32, #tpu.memory_space<vmem>>, vector<2048x256xf32>
    %mul3A_36 = arith.constant 5.000000e-01 : f32
    %mul3A_37 = vector.broadcast %mul3A_36 : f32 to vector<2048x256xf32>
    %mul3A_38 = arith.mulf %mul3A_37, %get3A_35 : vector<2048x256xf32>
    %add3A_39 = arith.addf %add3A_32, %mul3A_38 : vector<2048x256xf32>
    %get3A_40 = arith.constant 0 : index
    %get3A_41 = arith.constant 0 : index
    %get3A_42 = vector.load %arg5[%get3A_40, %get3A_41] : memref<256x256xf32, #tpu.memory_space<vmem>>, vector<256x256xf32>
    %dot_general3A = arith.constant dense<0.000000e+00> : vector<2048x256xf32>
    %dot_general3A_43 = tpu.matmul %add3A_39, %get3A_42, %dot_general3A {dimension_numbers = #tpu.dot_dimension_numbers<[1], [1], [0], [0], [0, 0, 1, 0], [], []>, transpose_lhs_hint = false} : vector<2048x256xf32>, vector<256x256xf32>, vector<2048x256xf32> -> vector<2048x256xf32>
    %swap3A = arith.constant 0 : index
    %swap3A_44 = arith.constant 0 : index
    %swap3A_45 = vector.load %arg6[%swap3A, %swap3A_44] : memref<2048x256xf32, #tpu.memory_space<vmem>>, vector<2048x256xf32>
    tpu.vector_store %arg6[%swap3A, %swap3A_44], %dot_general3A_43 {strides = array<i32>} : memref<2048x256xf32, #tpu.memory_space<vmem>>, vector<2048x256xf32>,
    return
  }
  func.func @transform_0(%arg0: i32) -> (i32, i32) {
    %c0_i32 = arith.constant 0 : i32
    %c0_i32_0 = arith.constant 0 : i32
    return %c0_i32, %arg0 : i32, i32
  }
  func.func @transform_1(%arg0: i32) -> (i32, i32, i32) {
    %c0_i32 = arith.constant 0 : i32
    %c0_i32_0 = arith.constant 0 : i32
    %c0_i32_1 = arith.constant 0 : i32
    return %c0_i32, %arg0, %c0_i32_0 : i32, i32, i32
  }
  func.func @transform_2(%arg0: i32) -> (i32, i32) {
    %c0_i32 = arith.constant 0 : i32
    %c0_i32_0 = arith.constant 0 : i32
    return %arg0, %c0_i32 : i32, i32
  }
  func.func @transform_3(%arg0: i32) -> (i32, i32) {
    %c0_i32 = arith.constant 0 : i32
    %c0_i32_0 = arith.constant 0 : i32
    return %arg0, %c0_i32 : i32, i32
  }
  func.func @transform_4(%arg0: i32) -> (i32, i32) {
    %c0_i32 = arith.constant 0 : i32
    %c0_i32_0 = arith.constant 0 : i32
    %c0_i32_1 = arith.constant 0 : i32
    return %c0_i32, %c0_i32_0 : i32, i32
  }
  func.func @transform_5(%arg0: i32) -> (i32, i32) {
    %c0_i32 = arith.constant 0 : i32
    %c0_i32_0 = arith.constant 0 : i32
    return %arg0, %c0_i32 : i32, i32
  }
}

</mosaic_0001>

<sc_bundles>
// kernel: kernel.6.cloned.1.call-start
scs
__scs_entry_jumppad:
0x0: {  	(pc) =	sbr.rel $0x88, $3  }
0x1: {  	(tag) =	ssettag $0x0;
	lr =	simm.s32 $0x1  }
0x2: {  	[smem:$0x3F9D] =	sst lr;
	_ =	strace $0xD0000000  }
0x3: {  	_ = 	snop  }
0x4: {  	_ = 	snop  }
0x5: {  	_ = 	snop  }
0x6: {  	_ = 	snop  }
0x7: {  	_ = 	snop  }
__scs_overlays_trampoline_lowered:
0x8: {  	[smem:$0x3FAC] =	sst s0  }
0x9: {  	[smem:$0x3FAD] =	sst s1  }
0xa: {  	[smem:$0x3FAE] =	sst s2  }
0xb: {  	[smem:$0x3FAF] =	sst s3  }
0xc: {  	[smem:$0x3FB0] =	sst s4  }
0xd: {  	[smem:$0x3FB1] =	sst s5  }
0xe: {  	[smem:$0x3FB2] =	sst s6  }
0xf: {  	[smem:$0x3FB3] =	sst s7  }
0x10: {  	[smem:$0x3FB4] =	sst s8  }
0x11: {  	[smem:$0x3FB5] =	sst s9;
	s0 =	simm.s32 @!p0 $0x0  }
0x12: {  	s1 =	sld [smem:$0x3F9B];
	s0 =	simm.s32 @p0 $0x1  }
0x13: {  	[smem:$0x3FB6] =	sst s0;
	s0 =	simm.s32 @!p1 $0x0  }
0x14: {  	s2 =	sld [smem:$0x3F9A];
	s0 =	simm.s32 @p1 $0x1  }
0x15: {  	[smem:$0x3FB7] =	sst s0;
	s0 =	simm.s32 @!p2 $0x0  }
0x16: {  	s3 =	sld [smem:$0x3FDB];
	s0 =	simm.s32 @p2 $0x1  }
0x17: {  	s4 =	simm.s32 $0x1BF5;
	[smem:$0x3FB9] =	sst s0  }
0x18: {  	s0 =	sld [smem:$0x3F9C];
	_ =	swait.ge [sflag:s4], $0x0  }
0x19: {  	s7 =	sld [smem:$0x3F9D]  }
0x1a: {  	s8 =	sadd.s32 $0xFFFFE003, lr  }
0x1b: {  	s9 =	sadd.s32 $0xFFFFFEF7, lr;
	s5 =	simm.s32 $0xFFFFFFFF;
	p2 =	slt.u32 s8, $0xFFFFF086  }
0x1c: {  	p1 =	slt.u32 s9, $0xF7A;
	s5 =	simm.s32 @!p2 $0x0  }
0x1d: {  	s5 =	simm.s32 @p1 $0x1;
	p0 =	seq.s32 s7, s2  }
0x1e: {  	s7 =	smul.u32 @!p0 $0xF7A, s2;
	p2 =	seq.s32 @!p0 s5, $0x0  }
0x1f: {  	s9 =	smul.u32 $0xF7A, s1;
	s8 =	simm.s32 @!p0 $0x1BF5;
	p2 =	por !p2, p0  }
0x20: {  	[sflag:s8] =	ssyncset.s32 @!p0 $0xFFFFF086;
	s6 =	sadd.s32 @!p0 s3, s7;
	s7 =	simm.s32 @!p0 $0x108  }
0x21: {  	s3 =	sadd.s32 s3, s9;
	s6 =	sadd.s32 @!p0 $0x88, s6;
	s7 =	simm.s32 @p2 $0x1082  }
0x22: {  	[simem:s7], [sflag:s8] =	dma.local @!p0 [hbm:s6], $0xF7A  }
0x23: {  	s9 =	sor.u32 $0xD0000000, s2;
	s6 =	simm.s32 $0x108;
	_ =	swait.ge @!p0 [sflag:s8], $0x0  }
0x24: {  	s3 =	sadd.s32 $0x88, s3;
	s6 =	simm.s32 @!p1 $0x1082;
	[sflag:s4] =	ssyncset.s32 $0xFFFFF086  }
0x25: {  	[simem:s6], [sflag:s4] =	dma.local [hbm:s3], $0xF7A  }
0x26: {  	[smem:$0x3F9D] =	sst s1;
	(tag) =	ssettag s2;
	_ =	strace s9  }
0x27: {  	s1 =	sld [smem:$0x3FAD]  }
0x28: {  	s2 =	sld [smem:$0x3FAE]  }
0x29: {  	s4 =	sld [smem:$0x3FB0]  }
0x2a: {  	p0 =	seq.s32 s5, $0x0;
	s5 =	sld [smem:$0x3FB1]  }
0x2b: {  	s6 =	sld [smem:$0x3FB2]  }
0x2c: {  	s7 =	sld [smem:$0x3FB3]  }
0x2d: {  	s3 =	simm.s32 $0x108;
	s8 =	sld [smem:$0x3FB4]  }
0x2e: {  	s3 =	simm.s32 @!p0 $0x1082;
	s9 =	sld [smem:$0x3FB5]  }
0x2f: {  	lr =	sadd.s32 s0, s3;
	s0 =	sld [smem:$0x3FAC]  }
0x30: {  	s3 =	sld [smem:$0x3FAF]  }
0x31: {  	[smem:$0x3FB8] =	sst s10  }
0x32: {  	s10 =	sld [smem:$0x3FB6];
	_ =	sdelay $0x3  }
0x33: {  	p0 =	seq.s32 s10, $0x1;
	s10 =	sld [smem:$0x3FB8];
	_ =	sdelay $0x3  }
0x34: {  	[smem:$0x3FB8] =	sst s10  }
0x35: {  	s10 =	sld [smem:$0x3FB7];
	_ =	sdelay $0x3  }
0x36: {  	p1 =	seq.s32 s10, $0x1;
	s10 =	sld [smem:$0x3FB8];
	_ =	sdelay $0x3  }
0x37: {  	[smem:$0x3FB8] =	sst s10  }
0x38: {  	s10 =	sld [smem:$0x3FB9]  }
0x39: {  	_ = 	snop;
	(pc) =	sbr.ind lr, $3  }
0x3a: {  	_ = 	snop  }
0x3b: {  	_ = 	snop  }
0x3c: {  	p2 =	seq.s32 s10, $0x1;
	s10 =	sld [smem:$0x3FB8]  }
0x3d: {  	_ =	shalt  }
0x3e: {  	_ =	shalt  }
0x3f: {  	_ =	shalt  }
0x40: {  	_ =	shalt  }
0x41: {  	_ =	shalt  }
0x42: {  	_ =	shalt  }
0x43: {  	_ =	shalt  }
0x44: {  	_ =	shalt  }
0x45: {  	_ =	shalt  }
0x46: {  	_ =	shalt  }
0x47: {  	_ =	shalt  }
0x48: {  	_ =	shalt  }
0x49: {  	_ =	shalt  }
0x4a: {  	_ =	shalt  }
0x4b: {  	_ =	shalt  }
0x4c: {  	_ =	shalt  }
0x4d: {  	_ =	shalt  }
0x4e: {  	_ =	shalt  }
0x4f: {  	_ =	shalt  }
0x50: {  	_ =	shalt  }
0x51: {  	_ =	shalt  }
0x52: {  	_ =	shalt  }
0x53: {  	_ =	shalt  }
0x54: {  	_ =	shalt  }
0x55: {  	_ =	shalt  }
0x56: {  	_ =	shalt  }
0x57: {  	_ =	shalt  }
0x58: {  	_ =	shalt  }
0x59: {  	_ =	shalt  }
0x5a: {  	_ =	shalt  }
0x5b: {  	_ =	shalt  }
0x5c: {  	_ =	shalt  }
0x5d: {  	_ =	shalt  }
0x5e: {  	_ =	shalt  }
0x5f: {  	_ =	shalt  }
0x60: {  	_ =	shalt  }
0x61: {  	_ =	shalt  }
0x62: {  	_ =	shalt  }
0x63: {  	_ =	shalt  }
0x64: {  	_ =	shalt  }
0x65: {  	_ =	shalt  }
0x66: {  	_ =	shalt  }
0x67: {  	_ =	shalt  }
0x68: {  	_ =	shalt  }
0x69: {  	_ =	shalt  }
0x6a: {  	_ =	shalt  }
0x6b: {  	_ =	shalt  }
0x6c: {  	_ =	shalt  }
0x6d: {  	_ =	shalt  }
0x6e: {  	_ =	shalt  }
0x6f: {  	_ =	shalt  }
0x70: {  	_ =	shalt  }
0x71: {  	_ =	shalt  }
0x72: {  	_ =	shalt  }
0x73: {  	_ =	shalt  }
0x74: {  	_ =	shalt  }
0x75: {  	_ =	shalt  }
0x76: {  	_ =	shalt  }
0x77: {  	_ =	shalt  }
0x78: {  	_ =	shalt  }
0x79: {  	_ =	shalt  }
0x7a: {  	_ =	shalt  }
0x7b: {  	_ =	shalt  }
0x7c: {  	_ =	shalt  }
0x7d: {  	_ =	shalt  }
0x7e: {  	_ =	shalt  }
0x7f: {  	_ =	shalt  }
0x80: {  	_ =	shalt  }
0x81: {  	_ =	shalt  }
0x82: {  	_ =	shalt  }
0x83: {  	_ =	shalt  }
0x84: {  	_ =	shalt  }
0x85: {  	_ =	shalt  }
0x86: {  	_ =	shalt  }
0x87: {  	_ =	shalt  }
.Lfunc_end0:
.L_simem_size_0:
called_computation_lowered:
.L_overlay_start_0:
0x88: {  	s2 =	sld [smem:$0x3FD9]  }
0x89: {  	s3 =	sld [smem:$0x3FFE];
	_ =	sdelay $0x1  }
0x8a: {  	s1 =	srdreg.scid  }
0x8b: {  	s0 =	sand.u32 $0x1, s1  }
0x8c: {  	s16 =	sshll.u32 s0, $0xA;
	s2 =	sadd.s32 s3, s2  }
0x8d: {  	s2 =	sadd.s32 s2, s16  }
0x8e: {  	[smem:$0x3FC4] =	sst s2  }
0x8f: {  	_ = 	snop  }
0x90: {  	(tm) =	ssettm $0x1  }
0x91: {  	s17 =	sld [smem:$0x3FFB];
	_ =	sdelay $0x3  }
0x92: {  	_ =	strace s17  }
0x93: {  	s2 =	sld [smem:$0x3FFC];
	_ =	sdelay $0x3  }
0x94: {  	_ =	strace s2  }
0x95: {  	s2 =	sld [smem:$0x3FFD];
	_ =	sdelay $0x3  }
0x96: {  	_ =	strace s2  }
0x97: {  	_ =	strace $0x8FFFFFFF  }
0x98: {  	s18 =	sld [smem:$0x3FDB];
	_ =	sdelay $0x1  }
0x99: {  	s19 =	simm.s32 $_scs_section_size  }
0x9a: {  	s4 =	simm.s32 $_size__tile_overlayer_lowered;
	s5 =	simm.s32 $_tile_overlayer_lowered  }
0x9b: {  	s22 =	simm.s32 $0x1BFF;
	s21 =	sshll.u32 s5, $0x1;
	s2 =	sadd.s32 s19, s18  }
0x9c: {  	s6 =	simm.s32 $0x0;
	s20 =	sshll.u32 s4, $0x1;
	s4 =	sadd.s32 s21, s2  }
0x9d: {  	[timem:s6], [sflag:s22] =	dma.local [hbm:s4], s20  }
0x9e: {  	_ =	swait.ge [sflag:s22], s20  }
0x9f: {  	s3 =	ssub.s32 $0x0, s20;
	[sflag:s22] =	ssyncset.done $0x0  }
0xa0: {  	[sflag:s22] =	ssyncadd.s32 s3;
	_ =	sdelay $0x1  }
0xa1: {  	s23 =	simm.s32 $0x1B8B  }
0xa2: {  	_ =	swait.ge [sflag:s23], $0x1  }
0xa3: {  	[sflag:s23] =	ssyncset.done $0x0  }
0xa4: {  	s25 =	simm.s32 $0x1B8E;
	s24 =	sld [smem:$0x3FFE];
	[sflag:s23] =	ssyncadd.s32 $0xFFFFFFFF  }
0xa5: {  	s26 =	simm.s32 $execute0_lowered;
	[smem:$0x3FD2] =	sst s25  }
0xa6: {  	s4 =	sshll.u32 s26, $0x1;
	_ =	strace $0x80000046;
	[dreg:$0x1] =	wrdreg $0xFFFFFFFF  }
0xa7: {  	s28 =	simm.s32 $_size_execute0_lowered;
	s2 =	sadd.s32 s2, s4;
	[dreg:$0x0] =	wrdreg $0x0  }
0xa8: {  	s4 =	sshll.u32 s28, $0x1;
	[dreg:$0x2] =	wrdreg s2  }
0xa9: {  	[dreg:$0x3] =	wrdreg s4  }
0xaa: {  	[dreg:$0x4] =	wrdreg $0xC0  }
0xab: {  	_ =	task [dreg:s6], $0x5FFFF  }
0xac: {  	[dreg:$0x1] =	wrdreg $0xFFFFFFFF  }
0xad: {  	[dreg:$0x0] =	wrdreg $0x60  }
0xae: {  	[dreg:$0x2] =	wrdreg s24  }
0xaf: {  	[dreg:$0x3] =	wrdreg $0x15000  }
0xb0: {  	[dreg:$0x4] =	wrdreg $0x9  }
0xb1: {  	_ =	task.clear_ibuf [dreg:s6], $0x5FFFF;
	_ =	strace $0x90000046  }
0xb2: {  	s29 =	simm.s32 $0x9;
	_ =	strace $0x80000048  }
0xb3: {  	_ =	swait.ge [sflag:s29], $0x1  }
0xb4: {  	[sflag:s29] =	ssyncadd.s32 $0xFFFFFFFF  }
0xb5: {  	_ =	strace $0x90000048  }
0xb6: {  	_ =	sfence  }
0xb7: {  	s30 =	sld [smem:$0x0];
	_ =	sdelay $0x2  }
0xb8: {  	s31 =	sshll.u32 s1, $0xD;
	s1 =	sshrl.u32 s1, $0x2  }
0xb9: {  	s3 =	sand.u32 $0x4000, s31;
	s1 =	sadd.s32 s1, s30  }
0xba: {  	s0 =	sor.u32 s3, s0;
	s1 =	sshll.u32 s1, $0x11  }
0xbb: {  	s0 =	sor.u32 s1, s0  }
0xbc: {  	s0 =	sadd.s32 $0x8F2B, s0  }
0xbd: {  	[sflag:s0] =	ssyncadd.remote.s32 $0x1  }
0xbe: {  	_ =	sfence.sel $0xFFFF  }
0xbf: {  	[dreg:$0x0] =	wrdreg $0xFFFFFFFF;
	(pc) =	sbr.abs _section_cstart, $3  }
0xc0: {  	[dreg:$0x1] =	wrdreg $0xFFFFFFFF  }
0xc1: {  	_ =	task.clear_ibuf [dreg:s6], $0x2FFFF;
	_ =	strace $0x9FFFFFFF  }
0xc2: {  	(tm) =	ssettm $0x7FFFFFFF  }
0xc3: {  	_ =	shalt  }
tec
execute0_lowered:
.L_overlay_start_1:
0x0: {  	(tag) =	ssettag $0x1  }
0x1: {  	s7 =	rddreg [dreg:$0x0]  }
0x2: {  	s0 =	srdreg.scid;
	s1 =	rddreg [dreg:$0x1]  }
0x3: {  	s2 =	stileid.u32;
	s3 =	simm.s32 $0x0;
	s12 =	simm.s32 $0x1480  }
0x4: {  	s14 =	simm.s32 $0x80;
	s5 =	sand.u32 $0x1, s0;
	s0 =	rddreg [dreg:$0x2]  }
0x5: {  	s15 =	simm.s32 $0x0;
	[smem:$0x7FF] =	sst s3;
	s6 =	sadd.s32 $0x6400, s7  }
0x6: {  	p0 =	sne.s32 s2, $0x0;
	s8 =	sshll.u32 s5, $0x4;
	_ =	strace $0x80000047  }
0x7: {  	s10 =	ssub.s32 $0x2, s5;
	s5 =	sadd.s32 $0x6800, s7;
	s4 =	sor.u32 s2, s8  }
0x8: {  	s11 =	sshrl.u32 s10, $0x1;
	s8 =	sadd.s32 s8, s7;
	s4 =	smul.u32 $0x280, s4  }
0x9: {  	s13 =	sshrl.u32 @!p0 s1, $0x3;
	s10 =	ssub.s32 s10, s11;
	s8 =	sadd.s32 $0x6E00, s8  }
0xa: {  	s11 =	simm.s32 $0x1400;
	s9 =	sadd.s32 s4, s7;
	s4 =	sadd.s32 $0x6600, s7  }
0xb: {  	s7 =	sadd.s32 $0x1400, s9;
	s9 =	smax.u32 s10, $0x1;
	s10 =	simm.s32 $0x1  }
.LBB2_1:
0xc: {  	[tilespmem:s3], [sflag:$0x1] =	stream.linear.gather [hbm4b:s7+s3], $0x1400, $0x38;
	[tilespmem:$0x1778] =	vst v63  }
0xd: {  	_ =	swait.ge [sflag:s10], $0x1400  }
0xe: {  	[sflag:s10] =	ssyncset.done $0x0  }
0xf: {  	[sflag:s10] =	ssyncadd.s32 $0xFFFFEC00  }
0x10: {  	[tilespmem:s11], [sflag:$0x1] =	stream.linear.gather [hbm4b:s4+s3], $0x80, $0x38;
	[tilespmem:$0x1778] =	vst v63  }
0x11: {  	_ =	swait.ge [sflag:s10], $0x80  }
0x12: {  	[sflag:s10] =	ssyncset.done $0x0  }
0x13: {  	[sflag:s10] =	ssyncadd.s32 $0xFFFFFF80  }
0x14: {  	[tilespmem:s12], [sflag:$0x1] =	stream.linear.gather [hbm4b:s6+s3], $0x80, $0x38;
	[tilespmem:$0x1778] =	vst v63  }
0x15: {  	_ =	swait.ge [sflag:s10], $0x80  }
0x16: {  	[sflag:s10] =	ssyncset.done $0x0  }
0x17: {  	s16 =	simm.s32 @!p0 $0x1C01;
	[sflag:s10] =	ssyncadd.s32 $0xFFFFFF80  }
0x18: {  	[spmem:s13], [sflag:s16] =	dma.local @!p0 [hbm:s5], $0x4F0  }
0x19: {  	s16 =	simm.s32 @!p0 $0x1  }
0x1a: {  	_ =	swait.ge @!p0 [sflag:s16], $0x4F0  }
0x1b: {  	[sflag:s16] =	ssyncset.done @!p0 $0x0  }
0x1c: {  	[sflag:s16] =	ssyncadd.s32 @!p0 $0xFFFFFB10  }
0x1d: {  	s31 =	simm.s32 $0x0;
	[bflag:$0x0] =	sbarrier.arrive $0xFFFF  }
0x1e: {  	[spmem:s1] =	stream.indirect.scatter.add.f32 [tilespmem:s11], [sflag:$0x1], $0x1, s31, s14, $0xb8;
	[tilespmem:$0x1778] =	vst v63  }
0x1f: {  	_ =	swait.ge [sflag:s10], $0x80  }
0x20: {  	s16 =	simm.s32 $0x200;
	[sflag:s10] =	ssyncset.done $0x0  }
.LBB2_2:
0x21: {  	s17 =	sshra.s32 s16, $0x2;
	[sflag:s10] =	ssyncadd.s32 $0xFFFFFF80;
	p1 =	sne.s32 s16, $0x4E00  }
0x22: {  	[spmem:s1] =	stream.indirect.scatter.add.f32 [tilespmem:s11], [sflag:$0x1], $0x1, s17, s14, $0xb8;
	[tilespmem:$0x1778] =	vst v63  }
.Ltmp0:
0x23: {  	_ = 	snop;
	(pc) =	sbr.rel @p1 .LBB2_2-.Ltmp0, $4  }
0x24: {  	_ = 	snop  }
0x25: {  	s16 =	sadd.s32 $0x200, s16  }
0x26: {  	_ =	swait.ge [sflag:s10], $0x80  }
0x27: {  	[sflag:s10] =	ssyncset.done $0x0  }
0x28: {  	[sflag:s10] =	ssyncadd.s32 $0xFFFFFF80  }
0x29: {  	[bflag:$0x0] =	sbarrier.arrive $0xFFFF  }
0x2a: {  	v0 =	vld [tilespmem:$0x1480];
	_ =	sdelay $0x4  }
0x2b: {  	(v2sf) =	vpush v0, $0x0;
	_ =	sdelay $0xe  }
0x2c: {  	s16 =	spop (v2sf)  }
0x2d: {  	s16 =	smul.u32 $0x258, s16;
	_ =	sdelay $0x1  }
0x2e: {  	s16 =	sor.u32 s2, s16  }
0x2f: {  	s15 =	sadd.s32 $0x1, s15;
	p1 =	sne.s32 s16, $0x0  }
0x30: {  	p2 =	sne.s32 s15, s9;
	s16 =	sshll.u32 @!p1 s2, $0x6  }
0x31: {  	s17 =	sshrl.u32 @!p1 s1, $0x3;
	s18 =	simm.s32 @!p1 $0x1;
	s19 =	simm.s32 @!p1 $0x20  }
.Ltmp1:
0x32: {  	s20 =	simm.s32 @!p1 $0x10;
	s16 =	sor.u32 @!p1 $0x1C01, s16;
	(pc) =	sbr.rel @p2 .LBB2_1-.Ltmp1, $4  }
0x33: {  	[hbm:s8@s19], [sflag:s16] =	dma.strided @!p1 [spmem:s17@s20], $0x4F0, s18, $0x10   }
0x34: {  	_ =	swait.ge @!p1 [sflag:s18], $0x4F0  }
0x35: {  	[sflag:s18] =	ssyncset.done @!p1 $0x0  }
0x36: {  	[sflag:s18] =	ssyncadd.s32 @!p1 $0xFFFFFB10  }
0x37: {  	_ =	sfence.sel $0x180000  }
0x38: {  	[bflag:$0x0] =	sbarrier.arrive $0xFFFF  }
0x39: {  	_ =	strace $0x90000047  }
0x3a: {  	s0 =	sadd.s32 @!p0 $0x100000, s0;
	[bflag:$0x2] =	sbarrier.arrive $0xFFFF  }
0x3b: {  	[sflag:s0] =	ssyncadd.tile.s32 @!p0 $0x1;
	_ =	shalt  }
.Lfunc_end2:
_tile_overlayer_lowered:
.L_overlay_start_2:
0x3c: {  	(tag) =	ssettag $0x2  }
0x3d: {  	s0 =	rddreg [dreg:$0x0];
	s2 =	stileid.u32  }
0x3e: {  	s1 =	rddreg [dreg:$0x1];
	p0 =	sne.s32 s2, $0x0  }
0x3f: {  	s3 =	rddreg [dreg:$0x2];
	[bflag:$0x3] =	sbarrier.arrive $0xFFFF;
	s2 =	simm.s32 @!p0 $0x1C01  }
0x40: {  	[timem:s3], [sflag:s2] =	dma.local @!p0 [hbm:s0], s1  }
0x41: {  	s0 =	simm.s32 @!p0 $0x1  }
0x42: {  	_ =	swait.ge @!p0 [sflag:s0], s1  }
0x43: {  	s1 =	ssub.s32 @!p0 $0x0, s1;
	[sflag:s0] =	ssyncset.done @!p0 $0x0  }
0x44: {  	[sflag:s0] =	ssyncadd.s32 @!p0 s1  }
0x45: {  	[bflag:$0x3] =	sbarrier.arrive $0xFFFF  }
0x46: {  	_ =	shalt  }

// kernel: kernel.9.cloned.1.call-start
scs
__scs_entry_jumppad:
0x0: {  	(pc) =	sbr.rel $0x88, $3  }
0x1: {  	(tag) =	ssettag $0x0;
	lr =	simm.s32 $0x1  }
0x2: {  	[smem:$0x3F9D] =	sst lr;
	_ =	strace $0xD0000000  }
0x3: {  	_ = 	snop  }
0x4: {  	_ = 	snop  }
0x5: {  	_ = 	snop  }
0x6: {  	_ = 	snop  }
0x7: {  	_ = 	snop  }
__scs_overlays_trampoline_lowered:
0x8: {  	[smem:$0x3FAC] =	sst s0  }
0x9: {  	[smem:$0x3FAD] =	sst s1  }
0xa: {  	[smem:$0x3FAE] =	sst s2  }
0xb: {  	[smem:$0x3FAF] =	sst s3  }
0xc: {  	[smem:$0x3FB0] =	sst s4  }
0xd: {  	[smem:$0x3FB1] =	sst s5  }
0xe: {  	[smem:$0x3FB2] =	sst s6  }
0xf: {  	[smem:$0x3FB3] =	sst s7  }
0x10: {  	[smem:$0x3FB4] =	sst s8  }
0x11: {  	[smem:$0x3FB5] =	sst s9;
	s0 =	simm.s32 @!p0 $0x0  }
0x12: {  	s1 =	sld [smem:$0x3F9B];
	s0 =	simm.s32 @p0 $0x1  }
0x13: {  	[smem:$0x3FB6] =	sst s0;
	s0 =	simm.s32 @!p1 $0x0  }
0x14: {  	s2 =	sld [smem:$0x3F9A];
	s0 =	simm.s32 @p1 $0x1  }
0x15: {  	[smem:$0x3FB7] =	sst s0;
	s0 =	simm.s32 @!p2 $0x0  }
0x16: {  	s3 =	sld [smem:$0x3FDB];
	s0 =	simm.s32 @p2 $0x1  }
0x17: {  	s4 =	simm.s32 $0x1BF5;
	[smem:$0x3FB9] =	sst s0  }
0x18: {  	s0 =	sld [smem:$0x3F9C];
	_ =	swait.ge [sflag:s4], $0x0  }
0x19: {  	s7 =	sld [smem:$0x3F9D]  }
0x1a: {  	s8 =	sadd.s32 $0xFFFFE003, lr  }
0x1b: {  	s9 =	sadd.s32 $0xFFFFFEF7, lr;
	s5 =	simm.s32 $0xFFFFFFFF;
	p2 =	slt.u32 s8, $0xFFFFF086  }
0x1c: {  	p1 =	slt.u32 s9, $0xF7A;
	s5 =	simm.s32 @!p2 $0x0  }
0x1d: {  	s5 =	simm.s32 @p1 $0x1;
	p0 =	seq.s32 s7, s2  }
0x1e: {  	s7 =	smul.u32 @!p0 $0xF7A, s2;
	p2 =	seq.s32 @!p0 s5, $0x0  }
0x1f: {  	s9 =	smul.u32 $0xF7A, s1;
	s8 =	simm.s32 @!p0 $0x1BF5;
	p2 =	por !p2, p0  }
0x20: {  	[sflag:s8] =	ssyncset.s32 @!p0 $0xFFFFF086;
	s6 =	sadd.s32 @!p0 s3, s7;
	s7 =	simm.s32 @!p0 $0x108  }
0x21: {  	s3 =	sadd.s32 s3, s9;
	s6 =	sadd.s32 @!p0 $0x88, s6;
	s7 =	simm.s32 @p2 $0x1082  }
0x22: {  	[simem:s7], [sflag:s8] =	dma.local @!p0 [hbm:s6], $0xF7A  }
0x23: {  	s9 =	sor.u32 $0xD0000000, s2;
	s6 =	simm.s32 $0x108;
	_ =	swait.ge @!p0 [sflag:s8], $0x0  }
0x24: {  	s3 =	sadd.s32 $0x88, s3;
	s6 =	simm.s32 @!p1 $0x1082;
	[sflag:s4] =	ssyncset.s32 $0xFFFFF086  }
0x25: {  	[simem:s6], [sflag:s4] =	dma.local [hbm:s3], $0xF7A  }
0x26: {  	[smem:$0x3F9D] =	sst s1;
	(tag) =	ssettag s2;
	_ =	strace s9  }
0x27: {  	s1 =	sld [smem:$0x3FAD]  }
0x28: {  	s2 =	sld [smem:$0x3FAE]  }
0x29: {  	s4 =	sld [smem:$0x3FB0]  }
0x2a: {  	p0 =	seq.s32 s5, $0x0;
	s5 =	sld [smem:$0x3FB1]  }
0x2b: {  	s6 =	sld [smem:$0x3FB2]  }
0x2c: {  	s7 =	sld [smem:$0x3FB3]  }
0x2d: {  	s3 =	simm.s32 $0x108;
	s8 =	sld [smem:$0x3FB4]  }
0x2e: {  	s3 =	simm.s32 @!p0 $0x1082;
	s9 =	sld [smem:$0x3FB5]  }
0x2f: {  	lr =	sadd.s32 s0, s3;
	s0 =	sld [smem:$0x3FAC]  }
0x30: {  	s3 =	sld [smem:$0x3FAF]  }
0x31: {  	[smem:$0x3FB8] =	sst s10  }
0x32: {  	s10 =	sld [smem:$0x3FB6];
	_ =	sdelay $0x3  }
0x33: {  	p0 =	seq.s32 s10, $0x1;
	s10 =	sld [smem:$0x3FB8];
	_ =	sdelay $0x3  }
0x34: {  	[smem:$0x3FB8] =	sst s10  }
0x35: {  	s10 =	sld [smem:$0x3FB7];
	_ =	sdelay $0x3  }
0x36: {  	p1 =	seq.s32 s10, $0x1;
	s10 =	sld [smem:$0x3FB8];
	_ =	sdelay $0x3  }
0x37: {  	[smem:$0x3FB8] =	sst s10  }
0x38: {  	s10 =	sld [smem:$0x3FB9]  }
0x39: {  	_ = 	snop;
	(pc) =	sbr.ind lr, $3  }
0x3a: {  	_ = 	snop  }
0x3b: {  	_ = 	snop  }
0x3c: {  	p2 =	seq.s32 s10, $0x1;
	s10 =	sld [smem:$0x3FB8]  }
0x3d: {  	_ =	shalt  }
0x3e: {  	_ =	shalt  }
0x3f: {  	_ =	shalt  }
0x40: {  	_ =	shalt  }
0x41: {  	_ =	shalt  }
0x42: {  	_ =	shalt  }
0x43: {  	_ =	shalt  }
0x44: {  	_ =	shalt  }
0x45: {  	_ =	shalt  }
0x46: {  	_ =	shalt  }
0x47: {  	_ =	shalt  }
0x48: {  	_ =	shalt  }
0x49: {  	_ =	shalt  }
0x4a: {  	_ =	shalt  }
0x4b: {  	_ =	shalt  }
0x4c: {  	_ =	shalt  }
0x4d: {  	_ =	shalt  }
0x4e: {  	_ =	shalt  }
0x4f: {  	_ =	shalt  }
0x50: {  	_ =	shalt  }
0x51: {  	_ =	shalt  }
0x52: {  	_ =	shalt  }
0x53: {  	_ =	shalt  }
0x54: {  	_ =	shalt  }
0x55: {  	_ =	shalt  }
0x56: {  	_ =	shalt  }
0x57: {  	_ =	shalt  }
0x58: {  	_ =	shalt  }
0x59: {  	_ =	shalt  }
0x5a: {  	_ =	shalt  }
0x5b: {  	_ =	shalt  }
0x5c: {  	_ =	shalt  }
0x5d: {  	_ =	shalt  }
0x5e: {  	_ =	shalt  }
0x5f: {  	_ =	shalt  }
0x60: {  	_ =	shalt  }
0x61: {  	_ =	shalt  }
0x62: {  	_ =	shalt  }
0x63: {  	_ =	shalt  }
0x64: {  	_ =	shalt  }
0x65: {  	_ =	shalt  }
0x66: {  	_ =	shalt  }
0x67: {  	_ =	shalt  }
0x68: {  	_ =	shalt  }
0x69: {  	_ =	shalt  }
0x6a: {  	_ =	shalt  }
0x6b: {  	_ =	shalt  }
0x6c: {  	_ =	shalt  }
0x6d: {  	_ =	shalt  }
0x6e: {  	_ =	shalt  }
0x6f: {  	_ =	shalt  }
0x70: {  	_ =	shalt  }
0x71: {  	_ =	shalt  }
0x72: {  	_ =	shalt  }
0x73: {  	_ =	shalt  }
0x74: {  	_ =	shalt  }
0x75: {  	_ =	shalt  }
0x76: {  	_ =	shalt  }
0x77: {  	_ =	shalt  }
0x78: {  	_ =	shalt  }
0x79: {  	_ =	shalt  }
0x7a: {  	_ =	shalt  }
0x7b: {  	_ =	shalt  }
0x7c: {  	_ =	shalt  }
0x7d: {  	_ =	shalt  }
0x7e: {  	_ =	shalt  }
0x7f: {  	_ =	shalt  }
0x80: {  	_ =	shalt  }
0x81: {  	_ =	shalt  }
0x82: {  	_ =	shalt  }
0x83: {  	_ =	shalt  }
0x84: {  	_ =	shalt  }
0x85: {  	_ =	shalt  }
0x86: {  	_ =	shalt  }
0x87: {  	_ =	shalt  }
.Lfunc_end0:
.L_simem_size_0:
called_computation.1_lowered:
.L_overlay_start_0:
0x88: {  	s2 =	sld [smem:$0x3FD9]  }
0x89: {  	s3 =	sld [smem:$0x3FFE];
	_ =	sdelay $0x1  }
0x8a: {  	s1 =	srdreg.scid  }
0x8b: {  	s0 =	sand.u32 $0x1, s1  }
0x8c: {  	s17 =	sshll.u32 s0, $0xA;
	s2 =	sadd.s32 s3, s2  }
0x8d: {  	s2 =	sadd.s32 s2, s17  }
0x8e: {  	[smem:$0x3FC4] =	sst s2  }
0x8f: {  	_ = 	snop  }
0x90: {  	s2 =	sld [smem:$0x3FD0];
	(tm) =	ssettm $0x1  }
0x91: {  	s18 =	sld [smem:$0x3FFB];
	_ =	sdelay $0x3  }
0x92: {  	_ =	strace s18  }
0x93: {  	s3 =	sld [smem:$0x3FFC];
	_ =	sdelay $0x3  }
0x94: {  	_ =	strace s3  }
0x95: {  	s3 =	sld [smem:$0x3FFD];
	_ =	sdelay $0x3  }
0x96: {  	_ =	strace s3  }
0x97: {  	_ =	strace $0x8FFFFFFF  }
0x98: {  	s19 =	sld [smem:$0x3FDB];
	_ =	sdelay $0x1  }
0x99: {  	s4 =	simm.s32 $_scs_section_size  }
0x9a: {  	s5 =	simm.s32 $_size__tile_overlayer_lowered;
	s6 =	simm.s32 $_tile_overlayer_lowered  }
0x9b: {  	s22 =	simm.s32 $0x1BFF;
	s21 =	sshll.u32 s6, $0x1;
	s3 =	sadd.s32 s4, s19  }
0x9c: {  	s7 =	simm.s32 $0x0;
	s20 =	sshll.u32 s5, $0x1;
	s5 =	sadd.s32 s21, s3  }
0x9d: {  	[timem:s7], [sflag:s22] =	dma.local [hbm:s5], s20  }
0x9e: {  	_ =	swait.ge [sflag:s22], s20  }
0x9f: {  	s4 =	ssub.s32 $0x0, s20;
	[sflag:s22] =	ssyncset.done $0x0  }
0xa0: {  	[sflag:s22] =	ssyncadd.s32 s4;
	_ =	sdelay $0x1  }
0xa1: {  	s23 =	simm.s32 $0x1B8B  }
0xa2: {  	_ =	swait.ge [sflag:s23], $0x1  }
0xa3: {  	[sflag:s23] =	ssyncset.done $0x0  }
0xa4: {  	s25 =	simm.s32 $0x1B8E;
	s24 =	sld [smem:$0x3FFE];
	[sflag:s23] =	ssyncadd.s32 $0xFFFFFFFF  }
0xa5: {  	s26 =	simm.s32 $execute0_lowered;
	[smem:$0x3FD2] =	sst s25  }
0xa6: {  	s5 =	sshll.u32 s26, $0x1;
	_ =	strace $0x80000049;
	[dreg:$0x1] =	wrdreg $0xFFFFFFFF  }
0xa7: {  	s28 =	simm.s32 $_size_execute0_lowered;
	s3 =	sadd.s32 s3, s5;
	[dreg:$0x0] =	wrdreg $0x0  }
0xa8: {  	s5 =	sshll.u32 s28, $0x1;
	[dreg:$0x2] =	wrdreg s3  }
0xa9: {  	[dreg:$0x3] =	wrdreg s5  }
0xaa: {  	[dreg:$0x4] =	wrdreg $0xC0  }
0xab: {  	_ =	task [dreg:s7], $0x5FFFF  }
0xac: {  	[dreg:$0x1] =	wrdreg $0xFFFFFFFF  }
0xad: {  	[dreg:$0x0] =	wrdreg $0x60  }
0xae: {  	[dreg:$0x2] =	wrdreg s24  }
0xaf: {  	[dreg:$0x3] =	wrdreg s2  }
0xb0: {  	[dreg:$0x4] =	wrdreg $0x0  }
0xb1: {  	[dreg:$0x5] =	wrdreg $0x9  }
0xb2: {  	_ =	task.clear_ibuf [dreg:s7], $0x6FFFF;
	_ =	strace $0x90000049  }
0xb3: {  	s29 =	simm.s32 $0x9;
	_ =	strace $0x8000004B  }
0xb4: {  	_ =	swait.ge [sflag:s29], $0x1  }
0xb5: {  	[sflag:s29] =	ssyncadd.s32 $0xFFFFFFFF  }
0xb6: {  	_ =	strace $0x9000004B  }
0xb7: {  	_ =	sfence  }
0xb8: {  	s30 =	sld [smem:$0x0];
	_ =	sdelay $0x2  }
0xb9: {  	s31 =	sshll.u32 s1, $0xD;
	s1 =	sshrl.u32 s1, $0x2  }
0xba: {  	s3 =	sand.u32 $0x4000, s31;
	s1 =	sadd.s32 s1, s30  }
0xbb: {  	s0 =	sor.u32 s3, s0;
	s1 =	sshll.u32 s1, $0x11  }
0xbc: {  	s0 =	sor.u32 s1, s0  }
0xbd: {  	s0 =	sadd.s32 $0x8F2B, s0  }
0xbe: {  	[sflag:s0] =	ssyncadd.remote.s32 $0x1  }
0xbf: {  	_ =	sfence.sel $0xFFFF  }
0xc0: {  	[dreg:$0x0] =	wrdreg $0xFFFFFFFF;
	(pc) =	sbr.abs _section_cstart, $3  }
0xc1: {  	[dreg:$0x1] =	wrdreg $0xFFFFFFFF  }
0xc2: {  	_ =	task.clear_ibuf [dreg:s7], $0x2FFFF;
	_ =	strace $0x9FFFFFFF  }
0xc3: {  	(tm) =	ssettm $0x7FFFFFFF  }
tec
execute0_lowered:
.L_overlay_start_1:
0x0: {  	(tag) =	ssettag $0x1  }
0x1: {  	s0 =	rddreg [dreg:$0x0]  }
0x2: {  	s1 =	rddreg [dreg:$0x1]  }
0x3: {  	s2 =	rddreg [dreg:$0x2];
	s4 =	srdreg.scid  }
0x4: {  	s7 =	stileid.u32;
	s3 =	simm.s32 $0x0;
	s16 =	simm.s32 $0x7  }
0x5: {  	s20 =	simm.s32 $0x16400;
	s21 =	simm.s32 $0x80;
	s28 =	simm.s32 $0x1  }
0x6: {  	s29 =	simm.s32 $0x5;
	s30 =	simm.s32 $0x4;
	s31 =	simm.s32 $0x2  }
0x7: {  	s6 =	sand.u32 $0x1, s4;
	s8 =	smul.u32 $0x2780, s7;
	[smem:$0x7FF] =	sst s3  }
0x8: {  	s4 =	sadd.s32 $0x6600, s0;
	s5 =	sadd.s32 $0x1400, s0;
	s22 =	smul.u32 $0x2800, s7  }
0x9: {  	s11 =	sadd.s32 $0x55600, s0;
	s12 =	sadd.s32 $0x6400, s0;
	s23 =	smul.u32 $0x4F000, s7  }
0xa: {  	s9 =	smul.u32 $0x27800, s6;
	_ =	strace $0x8000004A;
	[dreg:$0x4] =	wrdreg s11  }
0xb: {  	s26 =	sshll.u32 s7, $0x6;
	s10 =	smul.u32 $0x28000, s6;
	[dreg:$0x5] =	wrdreg s12  }
0xc: {  	s6 =	ssub.s32 $0x2, s6;
	s18 =	sor.u32 $0x1C07, s26;
	s26 =	simm.s32 $0x3  }
0xd: {  	s13 =	sshrl.u32 s6, $0x1;
	s25 =	sshrl.u32 s23, $0x2;
	s23 =	simm.s32 $0x16480  }
0xe: {  	s9 =	sadd.s32 s8, s9;
	s8 =	smul.u32 $0x500, s7;
	s6 =	ssub.s32 s6, s13  }
0xf: {  	s24 =	sadd.s32 s22, s10;
	s11 =	sadd.s32 s25, s2;
	s22 =	simm.s32 $0x16500  }
0x10: {  	s25 =	simm.s32 $0x1A500;
	s0 =	sadd.s32 s9, s0;
	s10 =	sshrl.u32 s24, $0x3  }
0x11: {  	s14 =	smax.u32 s6, $0x1;
	s19 =	sshrl.u32 s11, $0x3;
	s9 =	sadd.s32 s5, s8  }
0x12: {  	s1 =	sadd.s32 s1, s10;
	s13 =	sadd.s32 $0x57E00, s0;
	s0 =	simm.s32 $0x6  }
0x13: {  	[dreg:$0x6] =	wrdreg s1;
	s12 =	sadd.s32 $0x10, s9;
	s1 =	simm.s32 $0x0  }
.LBB2_1:
0x14: {  	s6 =	rddreg [dreg:$0x6];
	s7 =	simm.s32 $0x13C00  }
0x15: {  	[tilespmem:s7], [sflag:$0x7] =	stream.linear.gather [hbm4b:s6+s3], $0x2800, $0x38;
	[tilespmem:$0x1E580] =	vst v63  }
0x16: {  	_ =	swait.ge [sflag:s16], $0x2800  }
0x17: {  	[sflag:s16] =	ssyncset.done $0x0  }
0x18: {  	s10 =	simm.s32 $0x1E500;
	s17 =	rddreg [dreg:$0x5];
	[sflag:s16] =	ssyncadd.s32 $0xFFFFD800  }
0x19: {  	[tilespmem:s10], [sflag:$0x7] =	stream.linear.gather [hbm4b:s17+s3], $0x80, $0x38;
	[tilespmem:$0x1E580] =	vst v63  }
0x1a: {  	_ =	swait.ge [sflag:s16], $0x80  }
0x1b: {  	[sflag:s16] =	ssyncset.done $0x0  }
0x1c: {  	s24 =	rddreg [dreg:$0x4];
	[sflag:s16] =	ssyncadd.s32 $0xFFFFFF80  }
0x1d: {  	[spmem:s19], [sflag:s18] =	dma.local [hbm:s24], $0x2780  }
0x1e: {  	_ =	swait.ge [sflag:s16], $0x2780  }
0x1f: {  	[sflag:s16] =	ssyncset.done $0x0  }
0x20: {  	[sflag:s16] =	ssyncadd.s32 $0xFFFFD880  }
0x21: {  	[tilespmem:s20], [sflag:$0x3] =	stream.linear.gather [hbm4b:s9+s3], $0x80, $0x38;
	[tilespmem:$0x1E580] =	vst v63  }
0x22: {  	_ = 	snop  }
0x23: {  	[tilespmem:s22], [sflag:$0x1] =	stream.indirect.gather [hbm4b:s4+s21], $0x80, s7, s21, $0xb8;
	[tilespmem:$0x1E580] =	vst v63  }
0x24: {  	_ = 	snop  }
0x25: {  	[tilespmem:s23], [sflag:$0x4] =	stream.linear.gather [hbm4b:s12+s3], $0x80, $0x38;
	[tilespmem:$0x1E580] =	vst v63  }
0x26: {  	s7 =	simm.s32 $0x13C80  }
0x27: {  	[tilespmem:s25], [sflag:$0x2] =	stream.indirect.gather [hbm4b:s4+s21], $0x80, s7, s21, $0xb8;
	[tilespmem:$0x1E580] =	vst v63  }
0x28: {  	[bflag:$0x0] =	sbarrier.arrive $0xFFFF  }
0x29: {  	_ =	swait.ge [sflag:s26], $0x80  }
0x2a: {  	[sflag:s26] =	ssyncset.done $0x0  }
0x2b: {  	[sflag:s26] =	ssyncadd.s32 $0xFFFFFF80  }
0x2c: {  	_ =	swait.ge [sflag:s28], $0x4000  }
0x2d: {  	[sflag:s28] =	ssyncset.done $0x0  }
0x2e: {  	s10 =	sadd.s32 $0x30, s8;
	s17 =	simm.s32 $0x20;
	[sflag:s28] =	ssyncadd.s32 $0xFFFFC000  }
0x2f: {  	[spmem:s2] =	stream.indirect.scatter.add.f32 [tilespmem:s22], [sflag:$0x5], $0x80, s20, s21, $0xb8;
	[tilespmem:$0x1E580] =	vst v63  }
0x30: {  	s17 =	sand.u32 $0x60, s17;
	s24 =	sadd.s32 $0xFFFFFFF0, s10;
	_ =	swait.ge [sflag:s29], $0x4000  }
0x31: {  	s17 =	sadd.s32 s5, s17;
	s24 =	sand.u32 $0xFF80, s24;
	[sflag:s29] =	ssyncset.done $0x0  }
0x32: {  	s17 =	sadd.s32 s24, s17;
	[sflag:s29] =	ssyncadd.s32 $0xFFFFC000  }
0x33: {  	[tilespmem:s20], [sflag:$0x3] =	stream.linear.gather [hbm4b:s17+s3], $0x80, $0x38;
	[tilespmem:$0x1E580] =	vst v63  }
0x34: {  	s15 =	simm.s32 $0x13D00  }
0x35: {  	[tilespmem:s22], [sflag:$0x1] =	stream.indirect.gather [hbm4b:s4+s21], $0x80, s15, s21, $0xb8;
	[tilespmem:$0x1E580] =	vst v63  }
0x36: {  	_ =	swait.ge [sflag:s30], $0x80  }
0x37: {  	[sflag:s30] =	ssyncset.done $0x0  }
0x38: {  	[sflag:s30] =	ssyncadd.s32 $0xFFFFFF80  }
0x39: {  	_ =	swait.ge [sflag:s31], $0x4000  }
0x3a: {  	[sflag:s31] =	ssyncset.done $0x0  }
0x3b: {  	s24 =	simm.s32 $0x30;
	[sflag:s31] =	ssyncadd.s32 $0xFFFFC000  }
0x3c: {  	[spmem:s2] =	stream.indirect.scatter.add.f32 [tilespmem:s25], [sflag:$0x6], $0x80, s23, s21, $0xb8;
	[tilespmem:$0x1E580] =	vst v63  }
0x3d: {  	s17 =	sand.u32 $0x70, s24;
	_ =	swait.ge [sflag:s0], $0x4000  }
0x3e: {  	s6 =	sand.u32 $0xFF80, s10;
	s17 =	sadd.s32 s5, s17;
	[sflag:s0] =	ssyncset.done $0x0  }
0x3f: {  	s6 =	sadd.s32 s6, s17;
	[sflag:s0] =	ssyncadd.s32 $0xFFFFC000  }
0x40: {  	[tilespmem:s23], [sflag:$0x4] =	stream.linear.gather [hbm4b:s6+s3], $0x80, $0x38;
	[tilespmem:$0x1E580] =	vst v63  }
0x41: {  	s24 =	simm.s32 $0x13E00;
	s17 =	simm.s32 $0x50;
	s6 =	simm.s32 $0x13D80  }
.LBB2_2:
0x42: {  	[tilespmem:s25], [sflag:$0x2] =	stream.indirect.gather [hbm4b:s4+s21], $0x80, s6, s21, $0xb8;
	[tilespmem:$0x1E580] =	vst v63  }
0x43: {  	s6 =	smov.u32 s17  }
0x44: {  	p0 =	sne.s32 s17, $0x4F0;
	s17 =	sadd.s32 $0x20, s17;
	_ =	swait.ge [sflag:s26], $0x80  }
0x45: {  	[sflag:s26] =	ssyncset.done $0x0  }
0x46: {  	[sflag:s26] =	ssyncadd.s32 $0xFFFFFF80  }
0x47: {  	_ =	swait.ge [sflag:s28], $0x4000  }
0x48: {  	[sflag:s28] =	ssyncset.done $0x0  }
0x49: {  	s7 =	sadd.s32 s6, s8;
	s10 =	sadd.s32 $0xFFFFFFF0, s6;
	[sflag:s28] =	ssyncadd.s32 $0xFFFFC000  }
0x4a: {  	[spmem:s2] =	stream.indirect.scatter.add.f32 [tilespmem:s22], [sflag:$0x5], $0x80, s20, s21, $0xb8;
	[tilespmem:$0x1E580] =	vst v63  }
0x4b: {  	s15 =	sadd.s32 $0xFFFFFFF0, s7;
	s10 =	sand.u32 $0x60, s10;
	_ =	swait.ge [sflag:s29], $0x4000  }
0x4c: {  	s15 =	sand.u32 $0xFF80, s15;
	s10 =	sadd.s32 s5, s10;
	[sflag:s29] =	ssyncset.done $0x0  }
0x4d: {  	s7 =	sand.u32 $0xFF80, s7;
	s10 =	sadd.s32 s15, s10;
	[sflag:s29] =	ssyncadd.s32 $0xFFFFC000  }
0x4e: {  	[tilespmem:s20], [sflag:$0x3] =	stream.linear.gather [hbm4b:s10+s3], $0x80, $0x38;
	[tilespmem:$0x1E580] =	vst v63  }
0x4f: {  	_ = 	snop  }
0x50: {  	[tilespmem:s22], [sflag:$0x1] =	stream.indirect.gather [hbm4b:s4+s21], $0x80, s24, s21, $0xb8;
	[tilespmem:$0x1E580] =	vst v63  }
0x51: {  	_ =	swait.ge [sflag:s30], $0x80  }
0x52: {  	[sflag:s30] =	ssyncset.done $0x0  }
0x53: {  	[sflag:s30] =	ssyncadd.s32 $0xFFFFFF80  }
0x54: {  	_ =	swait.ge [sflag:s31], $0x4000  }
0x55: {  	[sflag:s31] =	ssyncset.done $0x0  }
0x56: {  	[sflag:s31] =	ssyncadd.s32 $0xFFFFC000  }
0x57: {  	[spmem:s2] =	stream.indirect.scatter.add.f32 [tilespmem:s25], [sflag:$0x6], $0x80, s23, s21, $0xb8;
	[tilespmem:$0x1E580] =	vst v63  }
.Ltmp0:
0x58: {  	s6 =	sand.u32 $0x70, s6;
	_ =	swait.ge [sflag:s0], $0x4000;
	(pc) =	sbr.rel @p0 .LBB2_2-.Ltmp0, $4  }
0x59: {  	s6 =	sadd.s32 s5, s6;
	[sflag:s0] =	ssyncset.done $0x0  }
0x5a: {  	s6 =	sadd.s32 s7, s6;
	[sflag:s0] =	ssyncadd.s32 $0xFFFFC000  }
0x5b: {  	[tilespmem:s23], [sflag:$0x4] =	stream.linear.gather [hbm4b:s6+s3], $0x80, $0x38;
	[tilespmem:$0x1E580] =	vst v63  }
0x5c: {  	s6 =	sadd.s32 $0x80, s24;
	s24 =	sadd.s32 $0x100, s24  }
0x5d: {  	[tilespmem:s25], [sflag:$0x2] =	stream.indirect.gather [hbm4b:s4+s21], $0x80, s6, s21, $0xb8;
	[tilespmem:$0x1E580] =	vst v63  }
0x5e: {  	_ =	swait.ge [sflag:s26], $0x80  }
0x5f: {  	[sflag:s26] =	ssyncset.done $0x0  }
0x60: {  	[sflag:s26] =	ssyncadd.s32 $0xFFFFFF80  }
0x61: {  	_ =	swait.ge [sflag:s28], $0x4000  }
0x62: {  	[sflag:s28] =	ssyncset.done $0x0  }
0x63: {  	[sflag:s28] =	ssyncadd.s32 $0xFFFFC000  }
0x64: {  	[spmem:s2] =	stream.indirect.scatter.add.f32 [tilespmem:s22], [sflag:$0x5], $0x80, s20, s21, $0xb8;
	[tilespmem:$0x1E580] =	vst v63  }
0x65: {  	_ =	swait.ge [sflag:s30], $0x80  }
0x66: {  	[sflag:s30] =	ssyncset.done $0x0  }
0x67: {  	[sflag:s30] =	ssyncadd.s32 $0xFFFFFF80  }
0x68: {  	_ =	swait.ge [sflag:s31], $0x4000  }
0x69: {  	[sflag:s31] =	ssyncset.done $0x0  }
0x6a: {  	[sflag:s31] =	ssyncadd.s32 $0xFFFFC000  }
0x6b: {  	[spmem:s2] =	stream.indirect.scatter.add.f32 [tilespmem:s25], [sflag:$0x6], $0x80, s23, s21, $0xb8;
	[tilespmem:$0x1E580] =	vst v63  }
0x6c: {  	_ =	swait.ge [sflag:s29], $0x4000  }
0x6d: {  	[sflag:s29] =	ssyncset.done $0x0  }
0x6e: {  	[sflag:s29] =	ssyncadd.s32 $0xFFFFC000  }
0x6f: {  	_ =	swait.ge [sflag:s0], $0x4000  }
0x70: {  	[sflag:s0] =	ssyncset.done $0x0  }
0x71: {  	[sflag:s0] =	ssyncadd.s32 $0xFFFFC000  }
0x72: {  	[bflag:$0x0] =	sbarrier.arrive $0xFFFF  }
0x73: {  	v0 =	vld [tilespmem:$0x1E500];
	_ =	sdelay $0x4  }
0x74: {  	(v2sf) =	vpush v0, $0x0;
	_ =	sdelay $0xe  }
0x75: {  	s24 =	spop (v2sf)  }
0x76: {  	s6 =	smul.u32 $0x258, s24;
	_ =	sdelay $0x1  }
0x77: {  	s1 =	sadd.s32 $0x1, s1;
	p0 =	sne.s32 s6, $0x0  }
0x78: {  	p1 =	sne.s32 s1, s14;
	s6 =	sshrl.u32 @!p0 s11, $0x3  }
0x79: {  	[hbm:s13], [sflag:s18] =	dma.local @!p0 [spmem:s6], $0x2780  }
.Ltmp1:
0x7a: {  	_ = 	snop;
	(pc) =	sbr.rel @p1 .LBB2_1-.Ltmp1, $4  }
0x7b: {  	s6 =	simm.s32 @!p0 $0x7  }
0x7c: {  	_ =	swait.ge @!p0 [sflag:s6], $0x2780  }
0x7d: {  	[sflag:s6] =	ssyncset.done @!p0 $0x0  }
0x7e: {  	[sflag:s6] =	ssyncadd.s32 @!p0 $0xFFFFD880  }
0x7f: {  	_ =	sfence.sel $0x180000  }
0x80: {  	[bflag:$0x0] =	sbarrier.arrive $0xFFFF  }
0x81: {  	_ =	strace $0x9000004A  }
0x82: {  	s0 =	stileid.u32;
	[bflag:$0x2] =	sbarrier.arrive $0xFFFF  }
0x83: {  	p0 =	sne.s32 s0, $0x0;
	s0 =	rddreg [dreg:$0x3]  }
0x84: {  	s0 =	sadd.s32 @!p0 $0x100000, s0  }
0x85: {  	[sflag:s0] =	ssyncadd.tile.s32 @!p0 $0x1;
	_ =	shalt  }
.Lfunc_end2:
_tile_overlayer_lowered:
.L_overlay_start_2:
0x86: {  	(tag) =	ssettag $0x2  }
0x87: {  	s0 =	rddreg [dreg:$0x0];
	s2 =	stileid.u32  }
0x88: {  	s1 =	rddreg [dreg:$0x1];
	p0 =	sne.s32 s2, $0x0  }
0x89: {  	s3 =	rddreg [dreg:$0x2];
	[bflag:$0x3] =	sbarrier.arrive $0xFFFF;
	s2 =	simm.s32 @!p0 $0x1C07  }
0x8a: {  	[timem:s3], [sflag:s2] =	dma.local @!p0 [hbm:s0], s1  }
0x8b: {  	s0 =	simm.s32 @!p0 $0x7  }
0x8c: {  	_ =	swait.ge @!p0 [sflag:s0], s1  }
0x8d: {  	s1 =	ssub.s32 @!p0 $0x0, s1;
	[sflag:s0] =	ssyncset.done @!p0 $0x0  }
0x8e: {  	[sflag:s0] =	ssyncadd.s32 @!p0 s1  }
0x8f: {  	[bflag:$0x3] =	sbarrier.arrive $0xFFFF  }
0x90: {  	_ =	shalt  }

</sc_bundles>
